<compile_context>
chip_gen: v7x
topology: tpu7x:2x2x1
jax: 0.10.2.dev20260603
libtpu: 0.0.44.dev20260713+nightly
codegen_flags: <defaults>
</compile_context>

<pallas_src>
import jax
import jax.numpy as jnp
from jax import lax
from jax.experimental import pallas as pl
from jax.experimental.pallas import tpu as pltpu
from jax.experimental.pallas import tpu_sc as plsc

N_NODES = 10000
N_EDGES = 160000
D = 256
H = 128
NC = 2
NS = 16
CHUNK = 40
NCHUNK = 250
ET = NCHUNK * CHUNK
NP = 10240
ROWS_PER_TILE = NP // NS
NPIPE = 5

NB = 2000
GRID = N_NODES // NB


def _matmul_body(ft_ref, ws_ref, wo_ref, bs_ref, bo_ref, fst_ref, fo0_ref,
                 fo1_ref):
    x = ft_ref[...]
    ys = jnp.dot(x, ws_ref[...], preferred_element_type=jnp.float32)
    ys = ys + bs_ref[...]
    yo = jnp.dot(x, wo_ref[...], preferred_element_type=jnp.float32)
    yo = yo + bo_ref[...]
    fst_ref[0] = ys[:, :H]
    fst_ref[1] = ys[:, H:]
    fo0_ref[...] = yo[:, :H]
    fo1_ref[...] = yo[:, H:]


def _tc_matmuls(ft, wst, wot, bs, bo):
    return pl.pallas_call(
        _matmul_body,
        grid=(GRID,),
        in_specs=[
            pl.BlockSpec((NB, D), lambda i: (i, 0)),
            pl.BlockSpec((D, D), lambda i: (0, 0)),
            pl.BlockSpec((D, D), lambda i: (0, 0)),
            pl.BlockSpec((1, D), lambda i: (0, 0)),
            pl.BlockSpec((1, D), lambda i: (0, 0)),
        ],
        out_specs=[
            pl.BlockSpec((NC, NB, H), lambda i: (0, i, 0)),
            pl.BlockSpec((NB, H), lambda i: (i, 0)),
            pl.BlockSpec((NB, H), lambda i: (i, 0)),
        ],
        out_shape=[
            jax.ShapeDtypeStruct((NC, NP, H), jnp.float32),
            jax.ShapeDtypeStruct((NP, H), jnp.float32),
            jax.ShapeDtypeStruct((NP, H), jnp.float32),
        ],
    )(ft, wst, wot, bs, bo)


def _sc_body(fot0, fot1, fst, gidx, ridx, out, idxg_v, acc_sh, rows, r80,
             semg, semr, sems):
    c = lax.axis_index("c")
    s = lax.axis_index("s")
    r0 = s * ROWS_PER_TILE
    pltpu.sync_copy(fst.at[pl.ds(c * NP + r0, ROWS_PER_TILE)],
                    acc_sh.at[pl.ds(r0, ROWS_PER_TILE)])
    pltpu.sync_copy(gidx.at[pl.ds(s * ET, ET)], idxg_v)
    plsc.subcore_barrier()
    r_base = s * ET
    blk = NPIPE * CHUNK

    def scatter_wait(k):
        pltpu.make_async_copy(rows[k], acc_sh.at[r80[k]], sems[k]).wait()

    def run_edges(fot):
        def edge_block(t, carry):
            dr, dg = [], []
            for k in range(NPIPE):
                @pl.when(t > 0)
                def _():
                    scatter_wait(k)
                dr.append(pltpu.async_copy(
                    ridx.at[pl.ds(r_base + t * blk + k * CHUNK, CHUNK)],
                    r80[k], semr[k]))
                dg.append(pltpu.async_copy(
                    fot.at[idxg_v.at[pl.ds(t * blk + k * CHUNK, CHUNK)]],
                    rows[k], semg[k]))
            for k in range(NPIPE):
                dg[k].wait()
                dr[k].wait()
                pltpu.async_copy(rows[k], acc_sh.at[r80[k]], sems[k],
                                 add=True)
            return carry

        lax.fori_loop(0, NCHUNK // NPIPE, edge_block, 0)

    @pl.when(c == 0)
    def _():
        run_edges(fot0)

    @pl.when(c == 1)
    def _():
        run_edges(fot1)

    for k in range(NPIPE):
        scatter_wait(k)
    plsc.subcore_barrier()
    pltpu.sync_copy(acc_sh.at[pl.ds(r0, ROWS_PER_TILE)],
                    out.at[pl.ds(c * NP + r0, ROWS_PER_TILE)])


def _sc_aggregate(fot0, fot1, fst, gidx, ridx):
    mesh = plsc.VectorSubcoreMesh(core_axis_name="c", subcore_axis_name="s")
    return pl.kernel(
        _sc_body,
        out_type=jax.ShapeDtypeStruct((NC * NP, H), jnp.float32),
        mesh=mesh,
        scratch_types=[
            pltpu.VMEM((ET,), jnp.int32),
            pltpu.VMEM_SHARED((NP, H), jnp.float32),
            [pltpu.VMEM((CHUNK, H), jnp.float32)] * NPIPE,
            [pltpu.VMEM((CHUNK,), jnp.int32)] * NPIPE,
            [pltpu.SemaphoreType.DMA] * NPIPE,
            [pltpu.SemaphoreType.DMA] * NPIPE,
            [pltpu.SemaphoreType.DMA] * NPIPE,
        ],
    )(fot0, fot1, fst, gidx, ridx)


def _transpose_body(acc_ref, out_ref):
    out_ref[0, :H, :] = jnp.transpose(acc_ref[0, :N_NODES, :])
    out_ref[0, H:, :] = jnp.transpose(acc_ref[1, :N_NODES, :])


def _tc_assemble(acc3):
    return pl.pallas_call(
        _transpose_body,
        out_shape=jax.ShapeDtypeStruct((1, D, N_NODES), jnp.float32),
    )(acc3)


def kernel(features, w_self, b_self, w_other, b_other, reduce_index,
           gather_index):
    ft = features[0].T
    wst = w_self.T
    wot = w_other.T
    bs = b_self[None, :]
    bo = b_other[None, :]
    gi = gather_index.astype(jnp.int32)
    ri = reduce_index.astype(jnp.int32)

    fst, fot0, fot1 = _tc_matmuls(ft, wst, wot, bs, bo)
    acc = _sc_aggregate(fot0, fot1, fst.reshape(NC * NP, H), gi, ri)
    return _tc_assemble(acc.reshape(NC, NP, H))

# --- scband reference (transcript-rebuilt; emitter-appended) ---
"""Pipeline reference for scband-graph-convolution-53558242181209 (READ-ONLY COPY).

The authoritative reference and input builder live on the scoring server;
editing this copy changes nothing except your own understanding.
"""

import jax, jax.numpy as jnp
import numpy as np

N_NODES = 10000
N_EDGES = 160000
D_IN = 256
D_OUT = 256


def setup_inputs(seed: int = 0) -> dict:
    key = jax.random.key(seed)
    k1, k2, k3, k4, k5, k6, k7 = jax.random.split(key, 7)
    features = jax.random.normal(k1, (1, D_IN, N_NODES), dtype=jnp.float32)
    reduce_index = jax.random.randint(k2, (N_EDGES,), 0, N_NODES, dtype=jnp.int32).astype(jnp.int64)
    gather_index = jax.random.randint(k3, (N_EDGES,), 0, N_NODES, dtype=jnp.int32).astype(jnp.int64)
    # Learned params: two Conv1d(kernel_size=1) layers == per-node linear maps
    w_self = jax.random.normal(k4, (D_OUT, D_IN), dtype=jnp.float32) * 0.05
    b_self = jax.random.normal(k5, (D_OUT,), dtype=jnp.float32) * 0.05
    w_other = jax.random.normal(k6, (D_OUT, D_IN), dtype=jnp.float32) * 0.05
    b_other = jax.random.normal(k7, (D_OUT,), dtype=jnp.float32) * 0.05
    return {
        "features": features,
        "w_self": w_self,
        "b_self": b_self,
        "w_other": w_other,
        "b_other": b_other,
        "reduce_index": reduce_index,
        "gather_index": gather_index,
    }


def reference(features, w_self, b_self, w_other, b_other, reduce_index, gather_index):
    # Conv1d with kernel_size=1 == channel-mixing matmul applied at every node position
    features_self = jnp.einsum("oc,bcn->bon", w_self, features) + b_self[None, :, None]
    features_other = jnp.einsum("oc,bcn->bon", w_other, features) + b_other[None, :, None]
    # gather messages from source nodes along last (node) dim
    gathered = jnp.take(features_other, gather_index, axis=-1)  # [1, D_OUT, E]
    # scatter-add into destination nodes (torch index_add_ on dim=-1)
    out = jnp.zeros_like(features_self).at[:, :, reduce_index].add(gathered)
    return out + features_self

if __name__ == "__main__":
    import jax
    _d = setup_inputs()
    print(jax.jit(kernel)(*tuple(_d.values())))

</pallas_src>

<mosaic_0001>
#map = affine_map<(d0, d1) -> (0, 0)>
#map1 = affine_map<(d0, d1) -> (0)>
module attributes {stable_mosaic.version = 14 : i64} {
  func.func @_sc_body(%arg0: i32, %arg1: i32, %arg2: memref<10240x128xf32, #tpu.memory_space<hbm>>, %arg3: memref<10240x128xf32, #tpu.memory_space<hbm>>, %arg4: memref<20480x128xf32, #tpu.memory_space<hbm>>, %arg5: memref<160000xi32, #tpu.memory_space<hbm>>, %arg6: memref<160000xi32, #tpu.memory_space<hbm>>, %arg7: memref<20480x128xf32, #tpu.memory_space<hbm>>, %arg8: memref<10000xi32, #tpu.memory_space<vmem>>, %arg9: memref<10240x128xf32, #tpu.memory_space<vmem_shared>>, %arg10: memref<40x128xf32, #tpu.memory_space<vmem>>, %arg11: memref<40x128xf32, #tpu.memory_space<vmem>>, %arg12: memref<40x128xf32, #tpu.memory_space<vmem>>, %arg13: memref<40x128xf32, #tpu.memory_space<vmem>>, %arg14: memref<40x128xf32, #tpu.memory_space<vmem>>, %arg15: memref<40xi32, #tpu.memory_space<vmem>>, %arg16: memref<40xi32, #tpu.memory_space<vmem>>, %arg17: memref<40xi32, #tpu.memory_space<vmem>>, %arg18: memref<40xi32, #tpu.memory_space<vmem>>, %arg19: memref<40xi32, #tpu.memory_space<vmem>>, %arg20: memref<!tpu.dma_semaphore, #tpu.memory_space<semaphore_mem>>, %arg21: memref<!tpu.dma_semaphore, #tpu.memory_space<semaphore_mem>>, %arg22: memref<!tpu.dma_semaphore, #tpu.memory_space<semaphore_mem>>, %arg23: memref<!tpu.dma_semaphore, #tpu.memory_space<semaphore_mem>>, %arg24: memref<!tpu.dma_semaphore, #tpu.memory_space<semaphore_mem>>, %arg25: memref<!tpu.dma_semaphore, #tpu.memory_space<semaphore_mem>>, %arg26: memref<!tpu.dma_semaphore, #tpu.memory_space<semaphore_mem>>, %arg27: memref<!tpu.dma_semaphore, #tpu.memory_space<semaphore_mem>>, %arg28: memref<!tpu.dma_semaphore, #tpu.memory_space<semaphore_mem>>, %arg29: memref<!tpu.dma_semaphore, #tpu.memory_space<semaphore_mem>>, %arg30: memref<!tpu.dma_semaphore, #tpu.memory_space<semaphore_mem>>, %arg31: memref<!tpu.dma_semaphore, #tpu.memory_space<semaphore_mem>>, %arg32: memref<!tpu.dma_semaphore, #tpu.memory_space<semaphore_mem>>, %arg33: memref<!tpu.dma_semaphore, #tpu.memory_space<semaphore_mem>>, %arg34: memref<!tpu.dma_semaphore, #tpu.memory_space<semaphore_mem>>) attributes {dimension_semantics = [#tpu.dimension_semantics<core_parallel>, #tpu.dimension_semantics<subcore_parallel>], iteration_bounds = array<i64: 2, 16>, scalar_prefetch = 0 : i64, scratch_operands = 27 : i64, tpu.core_type = #tpu.core_type<sc_vector_subcore>, window_params = [{transform_indices = #map}, {transform_indices = #map}, {transform_indices = #map}, {transform_indices = #map1}, {transform_indices = #map1}, {transform_indices = #map}]} {
    %mul3A = arith.constant 640 : i32
    %mul3A_0 = arith.muli %arg1, %mul3A : i32
    %mul3A_1 = arith.constant 10240 : i32
    %mul3A_2 = arith.muli %arg0, %mul3A_1 : i32
    %add3A = arith.addi %mul3A_2, %mul3A_0 : i32
    "tpu.region"() ({
      %run_scoped3A = tpu.sem_alloc : memref<!tpu.dma_semaphore, #tpu.memory_space<semaphore_mem>>
      %dma_start3A = arith.constant 0 : i32
      %dma_start3A_32 = tpu.memref_slice %arg9[%mul3A_0, %dma_start3A] : memref<10240x128xf32, #tpu.memory_space<vmem_shared>> -> memref<640x128xf32, #tpu.memory_space<vmem_shared>>
      %dma_start3A_33 = arith.constant 0 : i32
      %dma_start3A_34 = tpu.memref_slice %arg4[%add3A, %dma_start3A_33] : memref<20480x128xf32, #tpu.memory_space<hbm>> -> memref<640x128xf32, #tpu.memory_space<hbm>>
      tpu.enqueue_dma source(%dma_start3A_34 : memref<640x128xf32, #tpu.memory_space<hbm>>) target(%dma_start3A_32 : memref<640x128xf32, #tpu.memory_space<vmem_shared>>) target_semaphore(%run_scoped3A : memref<!tpu.dma_semaphore, #tpu.memory_space<semaphore_mem>>)
      %dma_wait3A_35 = arith.constant 0 : i32
      %dma_wait3A_36 = tpu.memref_slice %arg9[%mul3A_0, %dma_wait3A_35] : memref<10240x128xf32, #tpu.memory_space<vmem_shared>> -> memref<640x128xf32, #tpu.memory_space<vmem_shared>>
      %dma_wait3A_37 = arith.constant 0 : i32
      %dma_wait3A_38 = tpu.memref_slice %arg4[%add3A, %dma_wait3A_37] : memref<20480x128xf32, #tpu.memory_space<hbm>> -> memref<640x128xf32, #tpu.memory_space<hbm>>
      tpu.wait_dma2 semaphore(%run_scoped3A : memref<!tpu.dma_semaphore, #tpu.memory_space<semaphore_mem>>) src(%dma_wait3A_38 : memref<640x128xf32, #tpu.memory_space<hbm>>) dst(%dma_wait3A_36 : memref<640x128xf32, #tpu.memory_space<vmem_shared>>)
      tpu.yield
    }) : () -> ()
    %mul3A_3 = arith.constant 10000 : i32
    %mul3A_4 = arith.muli %arg1, %mul3A_3 : i32
    "tpu.region"() ({
      %run_scoped3A = tpu.sem_alloc : memref<!tpu.dma_semaphore, #tpu.memory_space<semaphore_mem>>
      %dma_start3A = tpu.memref_slice %arg5[%mul3A_4] : memref<160000xi32, #tpu.memory_space<hbm>> -> memref<10000xi32, #tpu.memory_space<hbm>>
      %dma_start3A_32 = tpu.memref_slice %arg5[%mul3A_4] : memref<160000xi32, #tpu.memory_space<hbm>> -> memref<10000xi32, #tpu.memory_space<hbm>>
      tpu.enqueue_dma source(%dma_start3A_32 : memref<10000xi32, #tpu.memory_space<hbm>>) target(%arg8 : memref<10000xi32, #tpu.memory_space<vmem>>) target_semaphore(%run_scoped3A : memref<!tpu.dma_semaphore, #tpu.memory_space<semaphore_mem>>)
      %dma_wait3A_33 = tpu.memref_slice %arg5[%mul3A_4] : memref<160000xi32, #tpu.memory_space<hbm>> -> memref<10000xi32, #tpu.memory_space<hbm>>
      %dma_wait3A_34 = tpu.memref_slice %arg5[%mul3A_4] : memref<160000xi32, #tpu.memory_space<hbm>> -> memref<10000xi32, #tpu.memory_space<hbm>>
      tpu.wait_dma2 semaphore(%run_scoped3A : memref<!tpu.dma_semaphore, #tpu.memory_space<semaphore_mem>>) src(%dma_wait3A_34 : memref<10000xi32, #tpu.memory_space<hbm>>) dst(%arg8 : memref<10000xi32, #tpu.memory_space<vmem>>)
      tpu.yield
    }) : () -> ()
    %barrier3A = arith.constant 0 : index
    tpu.barrier barrier_id(%barrier3A)
    %mul3A_5 = arith.constant 10000 : i32
    %mul3A_6 = arith.muli %arg1, %mul3A_5 : i32
    %eq3A = arith.constant 0 : i32
    %eq3A_7 = arith.cmpi eq, %arg0, %eq3A : i32
    %convert_element_type3A = arith.extui %eq3A_7 : i1 to i32
    %cond3A = arith.constant 0 : i32
    %cond3A_8 = arith.cmpi ne, %convert_element_type3A, %cond3A : i32
    scf.if %cond3A_8 {
      %scan3A = arith.constant 0 : i32
      %scan3A_32 = arith.constant 0 : i32
      %scan3A_33 = arith.constant 50 : i32
      %scan3A_34 = arith.addi %scan3A_32, %scan3A_33 : i32
      %scan3A_35 = arith.constant 1 : i32
      scf.for %scan3A_37 = %scan3A_32 to %scan3A_34 step %scan3A_35  : i32 {
        %gt3A = arith.constant 0 : i32
        %gt3A_38 = arith.cmpi sgt, %scan3A_37, %gt3A : i32
        %convert_element_type3A_39 = arith.extui %gt3A_38 : i1 to i32
        %cond3A_40 = arith.constant 0 : i32
        %cond3A_41 = arith.cmpi ne, %convert_element_type3A_39, %cond3A_40 : i32
        scf.if %cond3A_41 {
          %dma_wait3A_181 = arith.constant 0 : i32
          %dma_wait3A_182 = arith.constant 0 : i32
          %dma_wait3A_183 = tpu.memref_slice %arg9[%dma_wait3A_181, %dma_wait3A_182] : memref<10240x128xf32, #tpu.memory_space<vmem_shared>> -> memref<10240x128xf32, #tpu.memory_space<vmem_shared>>
          tpu.wait_indirect_dma semaphore(%arg30 : memref<!tpu.dma_semaphore, #tpu.memory_space<semaphore_mem>>) src(%arg10 : memref<40x128xf32, #tpu.memory_space<vmem>>) dst(%dma_wait3A_183 : memref<10240x128xf32, #tpu.memory_space<vmem_shared>>)
        } else {
        }
        %mul3A_42 = arith.constant 200 : i32
        %mul3A_43 = arith.muli %scan3A_37, %mul3A_42 : i32
        %add3A_44 = arith.addi %mul3A_6, %mul3A_43 : i32
        %add3A_45 = arith.constant 0 : i32
        %add3A_46 = arith.addi %add3A_44, %add3A_45 : i32
        %dma_start3A = tpu.memref_slice %arg6[%add3A_46] : memref<160000xi32, #tpu.memory_space<hbm>> -> memref<40xi32, #tpu.memory_space<hbm>>
        %dma_start3A_47 = tpu.memref_slice %arg6[%add3A_46] : memref<160000xi32, #tpu.memory_space<hbm>> -> memref<40xi32, #tpu.memory_space<hbm>>
        tpu.enqueue_dma source(%dma_start3A_47 : memref<40xi32, #tpu.memory_space<hbm>>) target(%arg15 : memref<40xi32, #tpu.memory_space<vmem>>) target_semaphore(%arg25 : memref<!tpu.dma_semaphore, #tpu.memory_space<semaphore_mem>>)
        %mul3A_48 = arith.constant 200 : i32
        %mul3A_49 = arith.muli %scan3A_37, %mul3A_48 : i32
        %add3A_50 = arith.constant 0 : i32
        %add3A_51 = arith.addi %mul3A_49, %add3A_50 : i32
        %dma_start3A_52 = tpu.memref_slice %arg8[%add3A_51] : memref<10000xi32, #tpu.memory_space<vmem>> -> memref<40xi32, #tpu.memory_space<vmem>>
        %dma_start3A_53 = arith.constant 0 : i32
        %dma_start3A_54 = arith.constant 0 : i32
        %dma_start3A_55 = tpu.memref_slice %arg2[%dma_start3A_53, %dma_start3A_54] : memref<10240x128xf32, #tpu.memory_space<hbm>> -> memref<10240x128xf32, #tpu.memory_space<hbm>>
        tpu.enqueue_indirect_dma source(%dma_start3A_55 : memref<10240x128xf32, #tpu.memory_space<hbm>>) target(%arg10 : memref<40x128xf32, #tpu.memory_space<vmem>>) offsets(%dma_start3A_52 : memref<40xi32, #tpu.memory_space<vmem>>) semaphore(%arg20 : memref<!tpu.dma_semaphore, #tpu.memory_space<semaphore_mem>>)
        %gt3A_56 = arith.constant 0 : i32
        %gt3A_57 = arith.cmpi sgt, %scan3A_37, %gt3A_56 : i32
        %convert_element_type3A_58 = arith.extui %gt3A_57 : i1 to i32
        %cond3A_59 = arith.constant 0 : i32
        %cond3A_60 = arith.cmpi ne, %convert_element_type3A_58, %cond3A_59 : i32
        scf.if %cond3A_60 {
          %dma_wait3A_181 = arith.constant 0 : i32
          %dma_wait3A_182 = arith.constant 0 : i32
          %dma_wait3A_183 = tpu.memref_slice %arg9[%dma_wait3A_181, %dma_wait3A_182] : memref<10240x128xf32, #tpu.memory_space<vmem_shared>> -> memref<10240x128xf32, #tpu.memory_space<vmem_shared>>
          tpu.wait_indirect_dma semaphore(%arg31 : memref<!tpu.dma_semaphore, #tpu.memory_space<semaphore_mem>>) src(%arg11 : memref<40x128xf32, #tpu.memory_space<vmem>>) dst(%dma_wait3A_183 : memref<10240x128xf32, #tpu.memory_space<vmem_shared>>)
        } else {
        }
        %mul3A_61 = arith.constant 200 : i32
        %mul3A_62 = arith.muli %scan3A_37, %mul3A_61 : i32
        %add3A_63 = arith.addi %mul3A_6, %mul3A_62 : i32
        %add3A_64 = arith.constant 40 : i32
        %add3A_65 = arith.addi %add3A_63, %add3A_64 : i32
        %dma_start3A_66 = tpu.memref_slice %arg6[%add3A_65] : memref<160000xi32, #tpu.memory_space<hbm>> -> memref<40xi32, #tpu.memory_space<hbm>>
        %dma_start3A_67 = tpu.memref_slice %arg6[%add3A_65] : memref<160000xi32, #tpu.memory_space<hbm>> -> memref<40xi32, #tpu.memory_space<hbm>>
        tpu.enqueue_dma source(%dma_start3A_67 : memref<40xi32, #tpu.memory_space<hbm>>) target(%arg16 : memref<40xi32, #tpu.memory_space<vmem>>) target_semaphore(%arg26 : memref<!tpu.dma_semaphore, #tpu.memory_space<semaphore_mem>>)
        %mul3A_68 = arith.constant 200 : i32
        %mul3A_69 = arith.muli %scan3A_37, %mul3A_68 : i32
        %add3A_70 = arith.constant 40 : i32
        %add3A_71 = arith.addi %mul3A_69, %add3A_70 : i32
        %dma_start3A_72 = tpu.memref_slice %arg8[%add3A_71] : memref<10000xi32, #tpu.memory_space<vmem>> -> memref<40xi32, #tpu.memory_space<vmem>>
        %dma_start3A_73 = arith.constant 0 : i32
        %dma_start3A_74 = arith.constant 0 : i32
        %dma_start3A_75 = tpu.memref_slice %arg2[%dma_start3A_73, %dma_start3A_74] : memref<10240x128xf32, #tpu.memory_space<hbm>> -> memref<10240x128xf32, #tpu.memory_space<hbm>>
        tpu.enqueue_indirect_dma source(%dma_start3A_75 : memref<10240x128xf32, #tpu.memory_space<hbm>>) target(%arg11 : memref<40x128xf32, #tpu.memory_space<vmem>>) offsets(%dma_start3A_72 : memref<40xi32, #tpu.memory_space<vmem>>) semaphore(%arg21 : memref<!tpu.dma_semaphore, #tpu.memory_space<semaphore_mem>>)
        %gt3A_76 = arith.constant 0 : i32
        %gt3A_77 = arith.cmpi sgt, %scan3A_37, %gt3A_76 : i32
        %convert_element_type3A_78 = arith.extui %gt3A_77 : i1 to i32
        %cond3A_79 = arith.constant 0 : i32
        %cond3A_80 = arith.cmpi ne, %convert_element_type3A_78, %cond3A_79 : i32
        scf.if %cond3A_80 {
          %dma_wait3A_181 = arith.constant 0 : i32
          %dma_wait3A_182 = arith.constant 0 : i32
          %dma_wait3A_183 = tpu.memref_slice %arg9[%dma_wait3A_181, %dma_wait3A_182] : memref<10240x128xf32, #tpu.memory_space<vmem_shared>> -> memref<10240x128xf32, #tpu.memory_space<vmem_shared>>
          tpu.wait_indirect_dma semaphore(%arg32 : memref<!tpu.dma_semaphore, #tpu.memory_space<semaphore_mem>>) src(%arg12 : memref<40x128xf32, #tpu.memory_space<vmem>>) dst(%dma_wait3A_183 : memref<10240x128xf32, #tpu.memory_space<vmem_shared>>)
        } else {
        }
        %mul3A_81 = arith.constant 200 : i32
        %mul3A_82 = arith.muli %scan3A_37, %mul3A_81 : i32
        %add3A_83 = arith.addi %mul3A_6, %mul3A_82 : i32
        %add3A_84 = arith.constant 80 : i32
        %add3A_85 = arith.addi %add3A_83, %add3A_84 : i32
        %dma_start3A_86 = tpu.memref_slice %arg6[%add3A_85] : memref<160000xi32, #tpu.memory_space<hbm>> -> memref<40xi32, #tpu.memory_space<hbm>>
        %dma_start3A_87 = tpu.memref_slice %arg6[%add3A_85] : memref<160000xi32, #tpu.memory_space<hbm>> -> memref<40xi32, #tpu.memory_space<hbm>>
        tpu.enqueue_dma source(%dma_start3A_87 : memref<40xi32, #tpu.memory_space<hbm>>) target(%arg17 : memref<40xi32, #tpu.memory_space<vmem>>) target_semaphore(%arg27 : memref<!tpu.dma_semaphore, #tpu.memory_space<semaphore_mem>>)
        %mul3A_88 = arith.constant 200 : i32
        %mul3A_89 = arith.muli %scan3A_37, %mul3A_88 : i32
        %add3A_90 = arith.constant 80 : i32
        %add3A_91 = arith.addi %mul3A_89, %add3A_90 : i32
        %dma_start3A_92 = tpu.memref_slice %arg8[%add3A_91] : memref<10000xi32, #tpu.memory_space<vmem>> -> memref<40xi32, #tpu.memory_space<vmem>>
        %dma_start3A_93 = arith.constant 0 : i32
        %dma_start3A_94 = arith.constant 0 : i32
        %dma_start3A_95 = tpu.memref_slice %arg2[%dma_start3A_93, %dma_start3A_94] : memref<10240x128xf32, #tpu.memory_space<hbm>> -> memref<10240x128xf32, #tpu.memory_space<hbm>>
        tpu.enqueue_indirect_dma source(%dma_start3A_95 : memref<10240x128xf32, #tpu.memory_space<hbm>>) target(%arg12 : memref<40x128xf32, #tpu.memory_space<vmem>>) offsets(%dma_start3A_92 : memref<40xi32, #tpu.memory_space<vmem>>) semaphore(%arg22 : memref<!tpu.dma_semaphore, #tpu.memory_space<semaphore_mem>>)
        %gt3A_96 = arith.constant 0 : i32
        %gt3A_97 = arith.cmpi sgt, %scan3A_37, %gt3A_96 : i32
        %convert_element_type3A_98 = arith.extui %gt3A_97 : i1 to i32
        %cond3A_99 = arith.constant 0 : i32
        %cond3A_100 = arith.cmpi ne, %convert_element_type3A_98, %cond3A_99 : i32
        scf.if %cond3A_100 {
          %dma_wait3A_181 = arith.constant 0 : i32
          %dma_wait3A_182 = arith.constant 0 : i32
          %dma_wait3A_183 = tpu.memref_slice %arg9[%dma_wait3A_181, %dma_wait3A_182] : memref<10240x128xf32, #tpu.memory_space<vmem_shared>> -> memref<10240x128xf32, #tpu.memory_space<vmem_shared>>
          tpu.wait_indirect_dma semaphore(%arg33 : memref<!tpu.dma_semaphore, #tpu.memory_space<semaphore_mem>>) src(%arg13 : memref<40x128xf32, #tpu.memory_space<vmem>>) dst(%dma_wait3A_183 : memref<10240x128xf32, #tpu.memory_space<vmem_shared>>)
        } else {
        }
        %mul3A_101 = arith.constant 200 : i32
        %mul3A_102 = arith.muli %scan3A_37, %mul3A_101 : i32
        %add3A_103 = arith.addi %mul3A_6, %mul3A_102 : i32
        %add3A_104 = arith.constant 120 : i32
        %add3A_105 = arith.addi %add3A_103, %add3A_104 : i32
        %dma_start3A_106 = tpu.memref_slice %arg6[%add3A_105] : memref<160000xi32, #tpu.memory_space<hbm>> -> memref<40xi32, #tpu.memory_space<hbm>>
        %dma_start3A_107 = tpu.memref_slice %arg6[%add3A_105] : memref<160000xi32, #tpu.memory_space<hbm>> -> memref<40xi32, #tpu.memory_space<hbm>>
        tpu.enqueue_dma source(%dma_start3A_107 : memref<40xi32, #tpu.memory_space<hbm>>) target(%arg18 : memref<40xi32, #tpu.memory_space<vmem>>) target_semaphore(%arg28 : memref<!tpu.dma_semaphore, #tpu.memory_space<semaphore_mem>>)
        %mul3A_108 = arith.constant 200 : i32
        %mul3A_109 = arith.muli %scan3A_37, %mul3A_108 : i32
        %add3A_110 = arith.constant 120 : i32
        %add3A_111 = arith.addi %mul3A_109, %add3A_110 : i32
        %dma_start3A_112 = tpu.memref_slice %arg8[%add3A_111] : memref<10000xi32, #tpu.memory_space<vmem>> -> memref<40xi32, #tpu.memory_space<vmem>>
        %dma_start3A_113 = arith.constant 0 : i32
        %dma_start3A_114 = arith.constant 0 : i32
        %dma_start3A_115 = tpu.memref_slice %arg2[%dma_start3A_113, %dma_start3A_114] : memref<10240x128xf32, #tpu.memory_space<hbm>> -> memref<10240x128xf32, #tpu.memory_space<hbm>>
        tpu.enqueue_indirect_dma source(%dma_start3A_115 : memref<10240x128xf32, #tpu.memory_space<hbm>>) target(%arg13 : memref<40x128xf32, #tpu.memory_space<vmem>>) offsets(%dma_start3A_112 : memref<40xi32, #tpu.memory_space<vmem>>) semaphore(%arg23 : memref<!tpu.dma_semaphore, #tpu.memory_space<semaphore_mem>>)
        %gt3A_116 = arith.constant 0 : i32
        %gt3A_117 = arith.cmpi sgt, %scan3A_37, %gt3A_116 : i32
        %convert_element_type3A_118 = arith.extui %gt3A_117 : i1 to i32
        %cond3A_119 = arith.constant 0 : i32
        %cond3A_120 = arith.cmpi ne, %convert_element_type3A_118, %cond3A_119 : i32
        scf.if %cond3A_120 {
          %dma_wait3A_181 = arith.constant 0 : i32
          %dma_wait3A_182 = arith.constant 0 : i32
          %dma_wait3A_183 = tpu.memref_slice %arg9[%dma_wait3A_181, %dma_wait3A_182] : memref<10240x128xf32, #tpu.memory_space<vmem_shared>> -> memref<10240x128xf32, #tpu.memory_space<vmem_shared>>
          tpu.wait_indirect_dma semaphore(%arg34 : memref<!tpu.dma_semaphore, #tpu.memory_space<semaphore_mem>>) src(%arg14 : memref<40x128xf32, #tpu.memory_space<vmem>>) dst(%dma_wait3A_183 : memref<10240x128xf32, #tpu.memory_space<vmem_shared>>)
        } else {
        }
        %mul3A_121 = arith.constant 200 : i32
        %mul3A_122 = arith.muli %scan3A_37, %mul3A_121 : i32
        %add3A_123 = arith.addi %mul3A_6, %mul3A_122 : i32
        %add3A_124 = arith.constant 160 : i32
        %add3A_125 = arith.addi %add3A_123, %add3A_124 : i32
        %dma_start3A_126 = tpu.memref_slice %arg6[%add3A_125] : memref<160000xi32, #tpu.memory_space<hbm>> -> memref<40xi32, #tpu.memory_space<hbm>>
        %dma_start3A_127 = tpu.memref_slice %arg6[%add3A_125] : memref<160000xi32, #tpu.memory_space<hbm>> -> memref<40xi32, #tpu.memory_space<hbm>>
        tpu.enqueue_dma source(%dma_start3A_127 : memref<40xi32, #tpu.memory_space<hbm>>) target(%arg19 : memref<40xi32, #tpu.memory_space<vmem>>) target_semaphore(%arg29 : memref<!tpu.dma_semaphore, #tpu.memory_space<semaphore_mem>>)
        %mul3A_128 = arith.constant 200 : i32
        %mul3A_129 = arith.muli %scan3A_37, %mul3A_128 : i32
        %add3A_130 = arith.constant 160 : i32
        %add3A_131 = arith.addi %mul3A_129, %add3A_130 : i32
        %dma_start3A_132 = tpu.memref_slice %arg8[%add3A_131] : memref<10000xi32, #tpu.memory_space<vmem>> -> memref<40xi32, #tpu.memory_space<vmem>>
        %dma_start3A_133 = arith.constant 0 : i32
        %dma_start3A_134 = arith.constant 0 : i32
        %dma_start3A_135 = tpu.memref_slice %arg2[%dma_start3A_133, %dma_start3A_134] : memref<10240x128xf32, #tpu.memory_space<hbm>> -> memref<10240x128xf32, #tpu.memory_space<hbm>>
        tpu.enqueue_indirect_dma source(%dma_start3A_135 : memref<10240x128xf32, #tpu.memory_space<hbm>>) target(%arg14 : memref<40x128xf32, #tpu.memory_space<vmem>>) offsets(%dma_start3A_132 : memref<40xi32, #tpu.memory_space<vmem>>) semaphore(%arg24 : memref<!tpu.dma_semaphore, #tpu.memory_space<semaphore_mem>>)
        %dma_wait3A_136 = tpu.memref_slice %arg8[%add3A_51] : memref<10000xi32, #tpu.memory_space<vmem>> -> memref<40xi32, #tpu.memory_space<vmem>>
        %dma_wait3A_137 = arith.constant 0 : i32
        %dma_wait3A_138 = arith.constant 0 : i32
        %dma_wait3A_139 = tpu.memref_slice %arg2[%dma_wait3A_137, %dma_wait3A_138] : memref<10240x128xf32, #tpu.memory_space<hbm>> -> memref<10240x128xf32, #tpu.memory_space<hbm>>
        tpu.wait_indirect_dma semaphore(%arg20 : memref<!tpu.dma_semaphore, #tpu.memory_space<semaphore_mem>>) src(%dma_wait3A_139 : memref<10240x128xf32, #tpu.memory_space<hbm>>) dst(%arg10 : memref<40x128xf32, #tpu.memory_space<vmem>>)
        %dma_wait3A_140 = tpu.memref_slice %arg6[%add3A_46] : memref<160000xi32, #tpu.memory_space<hbm>> -> memref<40xi32, #tpu.memory_space<hbm>>
        %dma_wait3A_141 = tpu.memref_slice %arg6[%add3A_46] : memref<160000xi32, #tpu.memory_space<hbm>> -> memref<40xi32, #tpu.memory_space<hbm>>
        tpu.wait_dma2 semaphore(%arg25 : memref<!tpu.dma_semaphore, #tpu.memory_space<semaphore_mem>>) src(%dma_wait3A_141 : memref<40xi32, #tpu.memory_space<hbm>>) dst(%arg15 : memref<40xi32, #tpu.memory_space<vmem>>)
        %dma_start3A_142 = arith.constant 0 : i32
        %dma_start3A_143 = arith.constant 0 : i32
        %dma_start3A_144 = tpu.memref_slice %arg9[%dma_start3A_142, %dma_start3A_143] : memref<10240x128xf32, #tpu.memory_space<vmem_shared>> -> memref<10240x128xf32, #tpu.memory_space<vmem_shared>>
        tpu.enqueue_indirect_dma source(%arg10 : memref<40x128xf32, #tpu.memory_space<vmem>>) target(%dma_start3A_144 : memref<10240x128xf32, #tpu.memory_space<vmem_shared>>) offsets(%arg15 : memref<40xi32, #tpu.memory_space<vmem>>) semaphore(%arg30 : memref<!tpu.dma_semaphore, #tpu.memory_space<semaphore_mem>>) {add = true}
        %dma_wait3A_145 = tpu.memref_slice %arg8[%add3A_71] : memref<10000xi32, #tpu.memory_space<vmem>> -> memref<40xi32, #tpu.memory_space<vmem>>
        %dma_wait3A_146 = arith.constant 0 : i32
        %dma_wait3A_147 = arith.constant 0 : i32
        %dma_wait3A_148 = tpu.memref_slice %arg2[%dma_wait3A_146, %dma_wait3A_147] : memref<10240x128xf32, #tpu.memory_space<hbm>> -> memref<10240x128xf32, #tpu.memory_space<hbm>>
        tpu.wait_indirect_dma semaphore(%arg21 : memref<!tpu.dma_semaphore, #tpu.memory_space<semaphore_mem>>) src(%dma_wait3A_148 : memref<10240x128xf32, #tpu.memory_space<hbm>>) dst(%arg11 : memref<40x128xf32, #tpu.memory_space<vmem>>)
        %dma_wait3A_149 = tpu.memref_slice %arg6[%add3A_65] : memref<160000xi32, #tpu.memory_space<hbm>> -> memref<40xi32, #tpu.memory_space<hbm>>
        %dma_wait3A_150 = tpu.memref_slice %arg6[%add3A_65] : memref<160000xi32, #tpu.memory_space<hbm>> -> memref<40xi32, #tpu.memory_space<hbm>>
        tpu.wait_dma2 semaphore(%arg26 : memref<!tpu.dma_semaphore, #tpu.memory_space<semaphore_mem>>) src(%dma_wait3A_150 : memref<40xi32, #tpu.memory_space<hbm>>) dst(%arg16 : memref<40xi32, #tpu.memory_space<vmem>>)
        %dma_start3A_151 = arith.constant 0 : i32
        %dma_start3A_152 = arith.constant 0 : i32
        %dma_start3A_153 = tpu.memref_slice %arg9[%dma_start3A_151, %dma_start3A_152] : memref<10240x128xf32, #tpu.memory_space<vmem_shared>> -> memref<10240x128xf32, #tpu.memory_space<vmem_shared>>
        tpu.enqueue_indirect_dma source(%arg11 : memref<40x128xf32, #tpu.memory_space<vmem>>) target(%dma_start3A_153 : memref<10240x128xf32, #tpu.memory_space<vmem_shared>>) offsets(%arg16 : memref<40xi32, #tpu.memory_space<vmem>>) semaphore(%arg31 : memref<!tpu.dma_semaphore, #tpu.memory_space<semaphore_mem>>) {add = true}
        %dma_wait3A_154 = tpu.memref_slice %arg8[%add3A_91] : memref<10000xi32, #tpu.memory_space<vmem>> -> memref<40xi32, #tpu.memory_space<vmem>>
        %dma_wait3A_155 = arith.constant 0 : i32
        %dma_wait3A_156 = arith.constant 0 : i32
        %dma_wait3A_157 = tpu.memref_slice %arg2[%dma_wait3A_155, %dma_wait3A_156] : memref<10240x128xf32, #tpu.memory_space<hbm>> -> memref<10240x128xf32, #tpu.memory_space<hbm>>
        tpu.wait_indirect_dma semaphore(%arg22 : memref<!tpu.dma_semaphore, #tpu.memory_space<semaphore_mem>>) src(%dma_wait3A_157 : memref<10240x128xf32, #tpu.memory_space<hbm>>) dst(%arg12 : memref<40x128xf32, #tpu.memory_space<vmem>>)
        %dma_wait3A_158 = tpu.memref_slice %arg6[%add3A_85] : memref<160000xi32, #tpu.memory_space<hbm>> -> memref<40xi32, #tpu.memory_space<hbm>>
        %dma_wait3A_159 = tpu.memref_slice %arg6[%add3A_85] : memref<160000xi32, #tpu.memory_space<hbm>> -> memref<40xi32, #tpu.memory_space<hbm>>
        tpu.wait_dma2 semaphore(%arg27 : memref<!tpu.dma_semaphore, #tpu.memory_space<semaphore_mem>>) src(%dma_wait3A_159 : memref<40xi32, #tpu.memory_space<hbm>>) dst(%arg17 : memref<40xi32, #tpu.memory_space<vmem>>)
        %dma_start3A_160 = arith.constant 0 : i32
        %dma_start3A_161 = arith.constant 0 : i32
        %dma_start3A_162 = tpu.memref_slice %arg9[%dma_start3A_160, %dma_start3A_161] : memref<10240x128xf32, #tpu.memory_space<vmem_shared>> -> memref<10240x128xf32, #tpu.memory_space<vmem_shared>>
        tpu.enqueue_indirect_dma source(%arg12 : memref<40x128xf32, #tpu.memory_space<vmem>>) target(%dma_start3A_162 : memref<10240x128xf32, #tpu.memory_space<vmem_shared>>) offsets(%arg17 : memref<40xi32, #tpu.memory_space<vmem>>) semaphore(%arg32 : memref<!tpu.dma_semaphore, #tpu.memory_space<semaphore_mem>>) {add = true}
        %dma_wait3A_163 = tpu.memref_slice %arg8[%add3A_111] : memref<10000xi32, #tpu.memory_space<vmem>> -> memref<40xi32, #tpu.memory_space<vmem>>
        %dma_wait3A_164 = arith.constant 0 : i32
        %dma_wait3A_165 = arith.constant 0 : i32
        %dma_wait3A_166 = tpu.memref_slice %arg2[%dma_wait3A_164, %dma_wait3A_165] : memref<10240x128xf32, #tpu.memory_space<hbm>> -> memref<10240x128xf32, #tpu.memory_space<hbm>>
        tpu.wait_indirect_dma semaphore(%arg23 : memref<!tpu.dma_semaphore, #tpu.memory_space<semaphore_mem>>) src(%dma_wait3A_166 : memref<10240x128xf32, #tpu.memory_space<hbm>>) dst(%arg13 : memref<40x128xf32, #tpu.memory_space<vmem>>)
        %dma_wait3A_167 = tpu.memref_slice %arg6[%add3A_105] : memref<160000xi32, #tpu.memory_space<hbm>> -> memref<40xi32, #tpu.memory_space<hbm>>
        %dma_wait3A_168 = tpu.memref_slice %arg6[%add3A_105] : memref<160000xi32, #tpu.memory_space<hbm>> -> memref<40xi32, #tpu.memory_space<hbm>>
        tpu.wait_dma2 semaphore(%arg28 : memref<!tpu.dma_semaphore, #tpu.memory_space<semaphore_mem>>) src(%dma_wait3A_168 : memref<40xi32, #tpu.memory_space<hbm>>) dst(%arg18 : memref<40xi32, #tpu.memory_space<vmem>>)
        %dma_start3A_169 = arith.constant 0 : i32
        %dma_start3A_170 = arith.constant 0 : i32
        %dma_start3A_171 = tpu.memref_slice %arg9[%dma_start3A_169, %dma_start3A_170] : memref<10240x128xf32, #tpu.memory_space<vmem_shared>> -> memref<10240x128xf32, #tpu.memory_space<vmem_shared>>
        tpu.enqueue_indirect_dma source(%arg13 : memref<40x128xf32, #tpu.memory_space<vmem>>) target(%dma_start3A_171 : memref<10240x128xf32, #tpu.memory_space<vmem_shared>>) offsets(%arg18 : memref<40xi32, #tpu.memory_space<vmem>>) semaphore(%arg33 : memref<!tpu.dma_semaphore, #tpu.memory_space<semaphore_mem>>) {add = true}
        %dma_wait3A_172 = tpu.memref_slice %arg8[%add3A_131] : memref<10000xi32, #tpu.memory_space<vmem>> -> memref<40xi32, #tpu.memory_space<vmem>>
        %dma_wait3A_173 = arith.constant 0 : i32
        %dma_wait3A_174 = arith.constant 0 : i32
        %dma_wait3A_175 = tpu.memref_slice %arg2[%dma_wait3A_173, %dma_wait3A_174] : memref<10240x128xf32, #tpu.memory_space<hbm>> -> memref<10240x128xf32, #tpu.memory_space<hbm>>
        tpu.wait_indirect_dma semaphore(%arg24 : memref<!tpu.dma_semaphore, #tpu.memory_space<semaphore_mem>>) src(%dma_wait3A_175 : memref<10240x128xf32, #tpu.memory_space<hbm>>) dst(%arg14 : memref<40x128xf32, #tpu.memory_space<vmem>>)
        %dma_wait3A_176 = tpu.memref_slice %arg6[%add3A_125] : memref<160000xi32, #tpu.memory_space<hbm>> -> memref<40xi32, #tpu.memory_space<hbm>>
        %dma_wait3A_177 = tpu.memref_slice %arg6[%add3A_125] : memref<160000xi32, #tpu.memory_space<hbm>> -> memref<40xi32, #tpu.memory_space<hbm>>
        tpu.wait_dma2 semaphore(%arg29 : memref<!tpu.dma_semaphore, #tpu.memory_space<semaphore_mem>>) src(%dma_wait3A_177 : memref<40xi32, #tpu.memory_space<hbm>>) dst(%arg19 : memref<40xi32, #tpu.memory_space<vmem>>)
        %dma_start3A_178 = arith.constant 0 : i32
        %dma_start3A_179 = arith.constant 0 : i32
        %dma_start3A_180 = tpu.memref_slice %arg9[%dma_start3A_178, %dma_start3A_179] : memref<10240x128xf32, #tpu.memory_space<vmem_shared>> -> memref<10240x128xf32, #tpu.memory_space<vmem_shared>>
        tpu.enqueue_indirect_dma source(%arg14 : memref<40x128xf32, #tpu.memory_space<vmem>>) target(%dma_start3A_180 : memref<10240x128xf32, #tpu.memory_space<vmem_shared>>) offsets(%arg19 : memref<40xi32, #tpu.memory_space<vmem>>) semaphore(%arg34 : memref<!tpu.dma_semaphore, #tpu.memory_space<semaphore_mem>>) {add = true}
      }
      %scan3A_36 = arith.constant 50 : i32
    } else {
    }
    %eq3A_9 = arith.constant 1 : i32
    %eq3A_10 = arith.cmpi eq, %arg0, %eq3A_9 : i32
    %convert_element_type3A_11 = arith.extui %eq3A_10 : i1 to i32
    %cond3A_12 = arith.constant 0 : i32
    %cond3A_13 = arith.cmpi ne, %convert_element_type3A_11, %cond3A_12 : i32
    scf.if %cond3A_13 {
      %scan3A = arith.constant 0 : i32
      %scan3A_32 = arith.constant 0 : i32
      %scan3A_33 = arith.constant 50 : i32
      %scan3A_34 = arith.addi %scan3A_32, %scan3A_33 : i32
      %scan3A_35 = arith.constant 1 : i32
      scf.for %scan3A_37 = %scan3A_32 to %scan3A_34 step %scan3A_35  : i32 {
        %gt3A = arith.constant 0 : i32
        %gt3A_38 = arith.cmpi sgt, %scan3A_37, %gt3A : i32
        %convert_element_type3A_39 = arith.extui %gt3A_38 : i1 to i32
        %cond3A_40 = arith.constant 0 : i32
        %cond3A_41 = arith.cmpi ne, %convert_element_type3A_39, %cond3A_40 : i32
        scf.if %cond3A_41 {
          %dma_wait3A_181 = arith.constant 0 : i32
          %dma_wait3A_182 = arith.constant 0 : i32
          %dma_wait3A_183 = tpu.memref_slice %arg9[%dma_wait3A_181, %dma_wait3A_182] : memref<10240x128xf32, #tpu.memory_space<vmem_shared>> -> memref<10240x128xf32, #tpu.memory_space<vmem_shared>>
          tpu.wait_indirect_dma semaphore(%arg30 : memref<!tpu.dma_semaphore, #tpu.memory_space<semaphore_mem>>) src(%arg10 : memref<40x128xf32, #tpu.memory_space<vmem>>) dst(%dma_wait3A_183 : memref<10240x128xf32, #tpu.memory_space<vmem_shared>>)
        } else {
        }
        %mul3A_42 = arith.constant 200 : i32
        %mul3A_43 = arith.muli %scan3A_37, %mul3A_42 : i32
        %add3A_44 = arith.addi %mul3A_6, %mul3A_43 : i32
        %add3A_45 = arith.constant 0 : i32
        %add3A_46 = arith.addi %add3A_44, %add3A_45 : i32
        %dma_start3A = tpu.memref_slice %arg6[%add3A_46] : memref<160000xi32, #tpu.memory_space<hbm>> -> memref<40xi32, #tpu.memory_space<hbm>>
        %dma_start3A_47 = tpu.memref_slice %arg6[%add3A_46] : memref<160000xi32, #tpu.memory_space<hbm>> -> memref<40xi32, #tpu.memory_space<hbm>>
        tpu.enqueue_dma source(%dma_start3A_47 : memref<40xi32, #tpu.memory_space<hbm>>) target(%arg15 : memref<40xi32, #tpu.memory_space<vmem>>) target_semaphore(%arg25 : memref<!tpu.dma_semaphore, #tpu.memory_space<semaphore_mem>>)
        %mul3A_48 = arith.constant 200 : i32
        %mul3A_49 = arith.muli %scan3A_37, %mul3A_48 : i32
        %add3A_50 = arith.constant 0 : i32
        %add3A_51 = arith.addi %mul3A_49, %add3A_50 : i32
        %dma_start3A_52 = tpu.memref_slice %arg8[%add3A_51] : memref<10000xi32, #tpu.memory_space<vmem>> -> memref<40xi32, #tpu.memory_space<vmem>>
        %dma_start3A_53 = arith.constant 0 : i32
        %dma_start3A_54 = arith.constant 0 : i32
        %dma_start3A_55 = tpu.memref_slice %arg3[%dma_start3A_53, %dma_start3A_54] : memref<10240x128xf32, #tpu.memory_space<hbm>> -> memref<10240x128xf32, #tpu.memory_space<hbm>>
        tpu.enqueue_indirect_dma source(%dma_start3A_55 : memref<10240x128xf32, #tpu.memory_space<hbm>>) target(%arg10 : memref<40x128xf32, #tpu.memory_space<vmem>>) offsets(%dma_start3A_52 : memref<40xi32, #tpu.memory_space<vmem>>) semaphore(%arg20 : memref<!tpu.dma_semaphore, #tpu.memory_space<semaphore_mem>>)
        %gt3A_56 = arith.constant 0 : i32
        %gt3A_57 = arith.cmpi sgt, %scan3A_37, %gt3A_56 : i32
        %convert_element_type3A_58 = arith.extui %gt3A_57 : i1 to i32
        %cond3A_59 = arith.constant 0 : i32
        %cond3A_60 = arith.cmpi ne, %convert_element_type3A_58, %cond3A_59 : i32
        scf.if %cond3A_60 {
          %dma_wait3A_181 = arith.constant 0 : i32
          %dma_wait3A_182 = arith.constant 0 : i32
          %dma_wait3A_183 = tpu.memref_slice %arg9[%dma_wait3A_181, %dma_wait3A_182] : memref<10240x128xf32, #tpu.memory_space<vmem_shared>> -> memref<10240x128xf32, #tpu.memory_space<vmem_shared>>
          tpu.wait_indirect_dma semaphore(%arg31 : memref<!tpu.dma_semaphore, #tpu.memory_space<semaphore_mem>>) src(%arg11 : memref<40x128xf32, #tpu.memory_space<vmem>>) dst(%dma_wait3A_183 : memref<10240x128xf32, #tpu.memory_space<vmem_shared>>)
        } else {
        }
        %mul3A_61 = arith.constant 200 : i32
        %mul3A_62 = arith.muli %scan3A_37, %mul3A_61 : i32
        %add3A_63 = arith.addi %mul3A_6, %mul3A_62 : i32
        %add3A_64 = arith.constant 40 : i32
        %add3A_65 = arith.addi %add3A_63, %add3A_64 : i32
        %dma_start3A_66 = tpu.memref_slice %arg6[%add3A_65] : memref<160000xi32, #tpu.memory_space<hbm>> -> memref<40xi32, #tpu.memory_space<hbm>>
        %dma_start3A_67 = tpu.memref_slice %arg6[%add3A_65] : memref<160000xi32, #tpu.memory_space<hbm>> -> memref<40xi32, #tpu.memory_space<hbm>>
        tpu.enqueue_dma source(%dma_start3A_67 : memref<40xi32, #tpu.memory_space<hbm>>) target(%arg16 : memref<40xi32, #tpu.memory_space<vmem>>) target_semaphore(%arg26 : memref<!tpu.dma_semaphore, #tpu.memory_space<semaphore_mem>>)
        %mul3A_68 = arith.constant 200 : i32
        %mul3A_69 = arith.muli %scan3A_37, %mul3A_68 : i32
        %add3A_70 = arith.constant 40 : i32
        %add3A_71 = arith.addi %mul3A_69, %add3A_70 : i32
        %dma_start3A_72 = tpu.memref_slice %arg8[%add3A_71] : memref<10000xi32, #tpu.memory_space<vmem>> -> memref<40xi32, #tpu.memory_space<vmem>>
        %dma_start3A_73 = arith.constant 0 : i32
        %dma_start3A_74 = arith.constant 0 : i32
        %dma_start3A_75 = tpu.memref_slice %arg3[%dma_start3A_73, %dma_start3A_74] : memref<10240x128xf32, #tpu.memory_space<hbm>> -> memref<10240x128xf32, #tpu.memory_space<hbm>>
        tpu.enqueue_indirect_dma source(%dma_start3A_75 : memref<10240x128xf32, #tpu.memory_space<hbm>>) target(%arg11 : memref<40x128xf32, #tpu.memory_space<vmem>>) offsets(%dma_start3A_72 : memref<40xi32, #tpu.memory_space<vmem>>) semaphore(%arg21 : memref<!tpu.dma_semaphore, #tpu.memory_space<semaphore_mem>>)
        %gt3A_76 = arith.constant 0 : i32
        %gt3A_77 = arith.cmpi sgt, %scan3A_37, %gt3A_76 : i32
        %convert_element_type3A_78 = arith.extui %gt3A_77 : i1 to i32
        %cond3A_79 = arith.constant 0 : i32
        %cond3A_80 = arith.cmpi ne, %convert_element_type3A_78, %cond3A_79 : i32
        scf.if %cond3A_80 {
          %dma_wait3A_181 = arith.constant 0 : i32
          %dma_wait3A_182 = arith.constant 0 : i32
          %dma_wait3A_183 = tpu.memref_slice %arg9[%dma_wait3A_181, %dma_wait3A_182] : memref<10240x128xf32, #tpu.memory_space<vmem_shared>> -> memref<10240x128xf32, #tpu.memory_space<vmem_shared>>
          tpu.wait_indirect_dma semaphore(%arg32 : memref<!tpu.dma_semaphore, #tpu.memory_space<semaphore_mem>>) src(%arg12 : memref<40x128xf32, #tpu.memory_space<vmem>>) dst(%dma_wait3A_183 : memref<10240x128xf32, #tpu.memory_space<vmem_shared>>)
        } else {
        }
        %mul3A_81 = arith.constant 200 : i32
        %mul3A_82 = arith.muli %scan3A_37, %mul3A_81 : i32
        %add3A_83 = arith.addi %mul3A_6, %mul3A_82 : i32
        %add3A_84 = arith.constant 80 : i32
        %add3A_85 = arith.addi %add3A_83, %add3A_84 : i32
        %dma_start3A_86 = tpu.memref_slice %arg6[%add3A_85] : memref<160000xi32, #tpu.memory_space<hbm>> -> memref<40xi32, #tpu.memory_space<hbm>>
        %dma_start3A_87 = tpu.memref_slice %arg6[%add3A_85] : memref<160000xi32, #tpu.memory_space<hbm>> -> memref<40xi32, #tpu.memory_space<hbm>>
        tpu.enqueue_dma source(%dma_start3A_87 : memref<40xi32, #tpu.memory_space<hbm>>) target(%arg17 : memref<40xi32, #tpu.memory_space<vmem>>) target_semaphore(%arg27 : memref<!tpu.dma_semaphore, #tpu.memory_space<semaphore_mem>>)
        %mul3A_88 = arith.constant 200 : i32
        %mul3A_89 = arith.muli %scan3A_37, %mul3A_88 : i32
        %add3A_90 = arith.constant 80 : i32
        %add3A_91 = arith.addi %mul3A_89, %add3A_90 : i32
        %dma_start3A_92 = tpu.memref_slice %arg8[%add3A_91] : memref<10000xi32, #tpu.memory_space<vmem>> -> memref<40xi32, #tpu.memory_space<vmem>>
        %dma_start3A_93 = arith.constant 0 : i32
        %dma_start3A_94 = arith.constant 0 : i32
        %dma_start3A_95 = tpu.memref_slice %arg3[%dma_start3A_93, %dma_start3A_94] : memref<10240x128xf32, #tpu.memory_space<hbm>> -> memref<10240x128xf32, #tpu.memory_space<hbm>>
        tpu.enqueue_indirect_dma source(%dma_start3A_95 : memref<10240x128xf32, #tpu.memory_space<hbm>>) target(%arg12 : memref<40x128xf32, #tpu.memory_space<vmem>>) offsets(%dma_start3A_92 : memref<40xi32, #tpu.memory_space<vmem>>) semaphore(%arg22 : memref<!tpu.dma_semaphore, #tpu.memory_space<semaphore_mem>>)
        %gt3A_96 = arith.constant 0 : i32
        %gt3A_97 = arith.cmpi sgt, %scan3A_37, %gt3A_96 : i32
        %convert_element_type3A_98 = arith.extui %gt3A_97 : i1 to i32
        %cond3A_99 = arith.constant 0 : i32
        %cond3A_100 = arith.cmpi ne, %convert_element_type3A_98, %cond3A_99 : i32
        scf.if %cond3A_100 {
          %dma_wait3A_181 = arith.constant 0 : i32
          %dma_wait3A_182 = arith.constant 0 : i32
          %dma_wait3A_183 = tpu.memref_slice %arg9[%dma_wait3A_181, %dma_wait3A_182] : memref<10240x128xf32, #tpu.memory_space<vmem_shared>> -> memref<10240x128xf32, #tpu.memory_space<vmem_shared>>
          tpu.wait_indirect_dma semaphore(%arg33 : memref<!tpu.dma_semaphore, #tpu.memory_space<semaphore_mem>>) src(%arg13 : memref<40x128xf32, #tpu.memory_space<vmem>>) dst(%dma_wait3A_183 : memref<10240x128xf32, #tpu.memory_space<vmem_shared>>)
        } else {
        }
        %mul3A_101 = arith.constant 200 : i32
        %mul3A_102 = arith.muli %scan3A_37, %mul3A_101 : i32
        %add3A_103 = arith.addi %mul3A_6, %mul3A_102 : i32
        %add3A_104 = arith.constant 120 : i32
        %add3A_105 = arith.addi %add3A_103, %add3A_104 : i32
        %dma_start3A_106 = tpu.memref_slice %arg6[%add3A_105] : memref<160000xi32, #tpu.memory_space<hbm>> -> memref<40xi32, #tpu.memory_space<hbm>>
        %dma_start3A_107 = tpu.memref_slice %arg6[%add3A_105] : memref<160000xi32, #tpu.memory_space<hbm>> -> memref<40xi32, #tpu.memory_space<hbm>>
        tpu.enqueue_dma source(%dma_start3A_107 : memref<40xi32, #tpu.memory_space<hbm>>) target(%arg18 : memref<40xi32, #tpu.memory_space<vmem>>) target_semaphore(%arg28 : memref<!tpu.dma_semaphore, #tpu.memory_space<semaphore_mem>>)
        %mul3A_108 = arith.constant 200 : i32
        %mul3A_109 = arith.muli %scan3A_37, %mul3A_108 : i32
        %add3A_110 = arith.constant 120 : i32
        %add3A_111 = arith.addi %mul3A_109, %add3A_110 : i32
        %dma_start3A_112 = tpu.memref_slice %arg8[%add3A_111] : memref<10000xi32, #tpu.memory_space<vmem>> -> memref<40xi32, #tpu.memory_space<vmem>>
        %dma_start3A_113 = arith.constant 0 : i32
        %dma_start3A_114 = arith.constant 0 : i32
        %dma_start3A_115 = tpu.memref_slice %arg3[%dma_start3A_113, %dma_start3A_114] : memref<10240x128xf32, #tpu.memory_space<hbm>> -> memref<10240x128xf32, #tpu.memory_space<hbm>>
        tpu.enqueue_indirect_dma source(%dma_start3A_115 : memref<10240x128xf32, #tpu.memory_space<hbm>>) target(%arg13 : memref<40x128xf32, #tpu.memory_space<vmem>>) offsets(%dma_start3A_112 : memref<40xi32, #tpu.memory_space<vmem>>) semaphore(%arg23 : memref<!tpu.dma_semaphore, #tpu.memory_space<semaphore_mem>>)
        %gt3A_116 = arith.constant 0 : i32
        %gt3A_117 = arith.cmpi sgt, %scan3A_37, %gt3A_116 : i32
        %convert_element_type3A_118 = arith.extui %gt3A_117 : i1 to i32
        %cond3A_119 = arith.constant 0 : i32
        %cond3A_120 = arith.cmpi ne, %convert_element_type3A_118, %cond3A_119 : i32
        scf.if %cond3A_120 {
          %dma_wait3A_181 = arith.constant 0 : i32
          %dma_wait3A_182 = arith.constant 0 : i32
          %dma_wait3A_183 = tpu.memref_slice %arg9[%dma_wait3A_181, %dma_wait3A_182] : memref<10240x128xf32, #tpu.memory_space<vmem_shared>> -> memref<10240x128xf32, #tpu.memory_space<vmem_shared>>
          tpu.wait_indirect_dma semaphore(%arg34 : memref<!tpu.dma_semaphore, #tpu.memory_space<semaphore_mem>>) src(%arg14 : memref<40x128xf32, #tpu.memory_space<vmem>>) dst(%dma_wait3A_183 : memref<10240x128xf32, #tpu.memory_space<vmem_shared>>)
        } else {
        }
        %mul3A_121 = arith.constant 200 : i32
        %mul3A_122 = arith.muli %scan3A_37, %mul3A_121 : i32
        %add3A_123 = arith.addi %mul3A_6, %mul3A_122 : i32
        %add3A_124 = arith.constant 160 : i32
        %add3A_125 = arith.addi %add3A_123, %add3A_124 : i32
        %dma_start3A_126 = tpu.memref_slice %arg6[%add3A_125] : memref<160000xi32, #tpu.memory_space<hbm>> -> memref<40xi32, #tpu.memory_space<hbm>>
        %dma_start3A_127 = tpu.memref_slice %arg6[%add3A_125] : memref<160000xi32, #tpu.memory_space<hbm>> -> memref<40xi32, #tpu.memory_space<hbm>>
        tpu.enqueue_dma source(%dma_start3A_127 : memref<40xi32, #tpu.memory_space<hbm>>) target(%arg19 : memref<40xi32, #tpu.memory_space<vmem>>) target_semaphore(%arg29 : memref<!tpu.dma_semaphore, #tpu.memory_space<semaphore_mem>>)
        %mul3A_128 = arith.constant 200 : i32
        %mul3A_129 = arith.muli %scan3A_37, %mul3A_128 : i32
        %add3A_130 = arith.constant 160 : i32
        %add3A_131 = arith.addi %mul3A_129, %add3A_130 : i32
        %dma_start3A_132 = tpu.memref_slice %arg8[%add3A_131] : memref<10000xi32, #tpu.memory_space<vmem>> -> memref<40xi32, #tpu.memory_space<vmem>>
        %dma_start3A_133 = arith.constant 0 : i32
        %dma_start3A_134 = arith.constant 0 : i32
        %dma_start3A_135 = tpu.memref_slice %arg3[%dma_start3A_133, %dma_start3A_134] : memref<10240x128xf32, #tpu.memory_space<hbm>> -> memref<10240x128xf32, #tpu.memory_space<hbm>>
        tpu.enqueue_indirect_dma source(%dma_start3A_135 : memref<10240x128xf32, #tpu.memory_space<hbm>>) target(%arg14 : memref<40x128xf32, #tpu.memory_space<vmem>>) offsets(%dma_start3A_132 : memref<40xi32, #tpu.memory_space<vmem>>) semaphore(%arg24 : memref<!tpu.dma_semaphore, #tpu.memory_space<semaphore_mem>>)
        %dma_wait3A_136 = tpu.memref_slice %arg8[%add3A_51] : memref<10000xi32, #tpu.memory_space<vmem>> -> memref<40xi32, #tpu.memory_space<vmem>>
        %dma_wait3A_137 = arith.constant 0 : i32
        %dma_wait3A_138 = arith.constant 0 : i32
        %dma_wait3A_139 = tpu.memref_slice %arg3[%dma_wait3A_137, %dma_wait3A_138] : memref<10240x128xf32, #tpu.memory_space<hbm>> -> memref<10240x128xf32, #tpu.memory_space<hbm>>
        tpu.wait_indirect_dma semaphore(%arg20 : memref<!tpu.dma_semaphore, #tpu.memory_space<semaphore_mem>>) src(%dma_wait3A_139 : memref<10240x128xf32, #tpu.memory_space<hbm>>) dst(%arg10 : memref<40x128xf32, #tpu.memory_space<vmem>>)
        %dma_wait3A_140 = tpu.memref_slice %arg6[%add3A_46] : memref<160000xi32, #tpu.memory_space<hbm>> -> memref<40xi32, #tpu.memory_space<hbm>>
        %dma_wait3A_141 = tpu.memref_slice %arg6[%add3A_46] : memref<160000xi32, #tpu.memory_space<hbm>> -> memref<40xi32, #tpu.memory_space<hbm>>
        tpu.wait_dma2 semaphore(%arg25 : memref<!tpu.dma_semaphore, #tpu.memory_space<semaphore_mem>>) src(%dma_wait3A_141 : memref<40xi32, #tpu.memory_space<hbm>>) dst(%arg15 : memref<40xi32, #tpu.memory_space<vmem>>)
        %dma_start3A_142 = arith.constant 0 : i32
        %dma_start3A_143 = arith.constant 0 : i32
        %dma_start3A_144 = tpu.memref_slice %arg9[%dma_start3A_142, %dma_start3A_143] : memref<10240x128xf32, #tpu.memory_space<vmem_shared>> -> memref<10240x128xf32, #tpu.memory_space<vmem_shared>>
        tpu.enqueue_indirect_dma source(%arg10 : memref<40x128xf32, #tpu.memory_space<vmem>>) target(%dma_start3A_144 : memref<10240x128xf32, #tpu.memory_space<vmem_shared>>) offsets(%arg15 : memref<40xi32, #tpu.memory_space<vmem>>) semaphore(%arg30 : memref<!tpu.dma_semaphore, #tpu.memory_space<semaphore_mem>>) {add = true}
        %dma_wait3A_145 = tpu.memref_slice %arg8[%add3A_71] : memref<10000xi32, #tpu.memory_space<vmem>> -> memref<40xi32, #tpu.memory_space<vmem>>
        %dma_wait3A_146 = arith.constant 0 : i32
        %dma_wait3A_147 = arith.constant 0 : i32
        %dma_wait3A_148 = tpu.memref_slice %arg3[%dma_wait3A_146, %dma_wait3A_147] : memref<10240x128xf32, #tpu.memory_space<hbm>> -> memref<10240x128xf32, #tpu.memory_space<hbm>>
        tpu.wait_indirect_dma semaphore(%arg21 : memref<!tpu.dma_semaphore, #tpu.memory_space<semaphore_mem>>) src(%dma_wait3A_148 : memref<10240x128xf32, #tpu.memory_space<hbm>>) dst(%arg11 : memref<40x128xf32, #tpu.memory_space<vmem>>)
        %dma_wait3A_149 = tpu.memref_slice %arg6[%add3A_65] : memref<160000xi32, #tpu.memory_space<hbm>> -> memref<40xi32, #tpu.memory_space<hbm>>
        %dma_wait3A_150 = tpu.memref_slice %arg6[%add3A_65] : memref<160000xi32, #tpu.memory_space<hbm>> -> memref<40xi32, #tpu.memory_space<hbm>>
        tpu.wait_dma2 semaphore(%arg26 : memref<!tpu.dma_semaphore, #tpu.memory_space<semaphore_mem>>) src(%dma_wait3A_150 : memref<40xi32, #tpu.memory_space<hbm>>) dst(%arg16 : memref<40xi32, #tpu.memory_space<vmem>>)
        %dma_start3A_151 = arith.constant 0 : i32
        %dma_start3A_152 = arith.constant 0 : i32
        %dma_start3A_153 = tpu.memref_slice %arg9[%dma_start3A_151, %dma_start3A_152] : memref<10240x128xf32, #tpu.memory_space<vmem_shared>> -> memref<10240x128xf32, #tpu.memory_space<vmem_shared>>
        tpu.enqueue_indirect_dma source(%arg11 : memref<40x128xf32, #tpu.memory_space<vmem>>) target(%dma_start3A_153 : memref<10240x128xf32, #tpu.memory_space<vmem_shared>>) offsets(%arg16 : memref<40xi32, #tpu.memory_space<vmem>>) semaphore(%arg31 : memref<!tpu.dma_semaphore, #tpu.memory_space<semaphore_mem>>) {add = true}
        %dma_wait3A_154 = tpu.memref_slice %arg8[%add3A_91] : memref<10000xi32, #tpu.memory_space<vmem>> -> memref<40xi32, #tpu.memory_space<vmem>>
        %dma_wait3A_155 = arith.constant 0 : i32
        %dma_wait3A_156 = arith.constant 0 : i32
        %dma_wait3A_157 = tpu.memref_slice %arg3[%dma_wait3A_155, %dma_wait3A_156] : memref<10240x128xf32, #tpu.memory_space<hbm>> -> memref<10240x128xf32, #tpu.memory_space<hbm>>
        tpu.wait_indirect_dma semaphore(%arg22 : memref<!tpu.dma_semaphore, #tpu.memory_space<semaphore_mem>>) src(%dma_wait3A_157 : memref<10240x128xf32, #tpu.memory_space<hbm>>) dst(%arg12 : memref<40x128xf32, #tpu.memory_space<vmem>>)
        %dma_wait3A_158 = tpu.memref_slice %arg6[%add3A_85] : memref<160000xi32, #tpu.memory_space<hbm>> -> memref<40xi32, #tpu.memory_space<hbm>>
        %dma_wait3A_159 = tpu.memref_slice %arg6[%add3A_85] : memref<160000xi32, #tpu.memory_space<hbm>> -> memref<40xi32, #tpu.memory_space<hbm>>
        tpu.wait_dma2 semaphore(%arg27 : memref<!tpu.dma_semaphore, #tpu.memory_space<semaphore_mem>>) src(%dma_wait3A_159 : memref<40xi32, #tpu.memory_space<hbm>>) dst(%arg17 : memref<40xi32, #tpu.memory_space<vmem>>)
        %dma_start3A_160 = arith.constant 0 : i32
        %dma_start3A_161 = arith.constant 0 : i32
        %dma_start3A_162 = tpu.memref_slice %arg9[%dma_start3A_160, %dma_start3A_161] : memref<10240x128xf32, #tpu.memory_space<vmem_shared>> -> memref<10240x128xf32, #tpu.memory_space<vmem_shared>>
        tpu.enqueue_indirect_dma source(%arg12 : memref<40x128xf32, #tpu.memory_space<vmem>>) target(%dma_start3A_162 : memref<10240x128xf32, #tpu.memory_space<vmem_shared>>) offsets(%arg17 : memref<40xi32, #tpu.memory_space<vmem>>) semaphore(%arg32 : memref<!tpu.dma_semaphore, #tpu.memory_space<semaphore_mem>>) {add = true}
        %dma_wait3A_163 = tpu.memref_slice %arg8[%add3A_111] : memref<10000xi32, #tpu.memory_space<vmem>> -> memref<40xi32, #tpu.memory_space<vmem>>
        %dma_wait3A_164 = arith.constant 0 : i32
        %dma_wait3A_165 = arith.constant 0 : i32
        %dma_wait3A_166 = tpu.memref_slice %arg3[%dma_wait3A_164, %dma_wait3A_165] : memref<10240x128xf32, #tpu.memory_space<hbm>> -> memref<10240x128xf32, #tpu.memory_space<hbm>>
        tpu.wait_indirect_dma semaphore(%arg23 : memref<!tpu.dma_semaphore, #tpu.memory_space<semaphore_mem>>) src(%dma_wait3A_166 : memref<10240x128xf32, #tpu.memory_space<hbm>>) dst(%arg13 : memref<40x128xf32, #tpu.memory_space<vmem>>)
        %dma_wait3A_167 = tpu.memref_slice %arg6[%add3A_105] : memref<160000xi32, #tpu.memory_space<hbm>> -> memref<40xi32, #tpu.memory_space<hbm>>
        %dma_wait3A_168 = tpu.memref_slice %arg6[%add3A_105] : memref<160000xi32, #tpu.memory_space<hbm>> -> memref<40xi32, #tpu.memory_space<hbm>>
        tpu.wait_dma2 semaphore(%arg28 : memref<!tpu.dma_semaphore, #tpu.memory_space<semaphore_mem>>) src(%dma_wait3A_168 : memref<40xi32, #tpu.memory_space<hbm>>) dst(%arg18 : memref<40xi32, #tpu.memory_space<vmem>>)
        %dma_start3A_169 = arith.constant 0 : i32
        %dma_start3A_170 = arith.constant 0 : i32
        %dma_start3A_171 = tpu.memref_slice %arg9[%dma_start3A_169, %dma_start3A_170] : memref<10240x128xf32, #tpu.memory_space<vmem_shared>> -> memref<10240x128xf32, #tpu.memory_space<vmem_shared>>
        tpu.enqueue_indirect_dma source(%arg13 : memref<40x128xf32, #tpu.memory_space<vmem>>) target(%dma_start3A_171 : memref<10240x128xf32, #tpu.memory_space<vmem_shared>>) offsets(%arg18 : memref<40xi32, #tpu.memory_space<vmem>>) semaphore(%arg33 : memref<!tpu.dma_semaphore, #tpu.memory_space<semaphore_mem>>) {add = true}
        %dma_wait3A_172 = tpu.memref_slice %arg8[%add3A_131] : memref<10000xi32, #tpu.memory_space<vmem>> -> memref<40xi32, #tpu.memory_space<vmem>>
        %dma_wait3A_173 = arith.constant 0 : i32
        %dma_wait3A_174 = arith.constant 0 : i32
        %dma_wait3A_175 = tpu.memref_slice %arg3[%dma_wait3A_173, %dma_wait3A_174] : memref<10240x128xf32, #tpu.memory_space<hbm>> -> memref<10240x128xf32, #tpu.memory_space<hbm>>
        tpu.wait_indirect_dma semaphore(%arg24 : memref<!tpu.dma_semaphore, #tpu.memory_space<semaphore_mem>>) src(%dma_wait3A_175 : memref<10240x128xf32, #tpu.memory_space<hbm>>) dst(%arg14 : memref<40x128xf32, #tpu.memory_space<vmem>>)
        %dma_wait3A_176 = tpu.memref_slice %arg6[%add3A_125] : memref<160000xi32, #tpu.memory_space<hbm>> -> memref<40xi32, #tpu.memory_space<hbm>>
        %dma_wait3A_177 = tpu.memref_slice %arg6[%add3A_125] : memref<160000xi32, #tpu.memory_space<hbm>> -> memref<40xi32, #tpu.memory_space<hbm>>
        tpu.wait_dma2 semaphore(%arg29 : memref<!tpu.dma_semaphore, #tpu.memory_space<semaphore_mem>>) src(%dma_wait3A_177 : memref<40xi32, #tpu.memory_space<hbm>>) dst(%arg19 : memref<40xi32, #tpu.memory_space<vmem>>)
        %dma_start3A_178 = arith.constant 0 : i32
        %dma_start3A_179 = arith.constant 0 : i32
        %dma_start3A_180 = tpu.memref_slice %arg9[%dma_start3A_178, %dma_start3A_179] : memref<10240x128xf32, #tpu.memory_space<vmem_shared>> -> memref<10240x128xf32, #tpu.memory_space<vmem_shared>>
        tpu.enqueue_indirect_dma source(%arg14 : memref<40x128xf32, #tpu.memory_space<vmem>>) target(%dma_start3A_180 : memref<10240x128xf32, #tpu.memory_space<vmem_shared>>) offsets(%arg19 : memref<40xi32, #tpu.memory_space<vmem>>) semaphore(%arg34 : memref<!tpu.dma_semaphore, #tpu.memory_space<semaphore_mem>>) {add = true}
      }
      %scan3A_36 = arith.constant 50 : i32
    } else {
    }
    %dma_wait3A = arith.constant 0 : i32
    %dma_wait3A_14 = arith.constant 0 : i32
    %dma_wait3A_15 = tpu.memref_slice %arg9[%dma_wait3A, %dma_wait3A_14] : memref<10240x128xf32, #tpu.memory_space<vmem_shared>> -> memref<10240x128xf32, #tpu.memory_space<vmem_shared>>
    tpu.wait_indirect_dma semaphore(%arg30 : memref<!tpu.dma_semaphore, #tpu.memory_space<semaphore_mem>>) src(%arg10 : memref<40x128xf32, #tpu.memory_space<vmem>>) dst(%dma_wait3A_15 : memref<10240x128xf32, #tpu.memory_space<vmem_shared>>)
    %dma_wait3A_16 = arith.constant 0 : i32
    %dma_wait3A_17 = arith.constant 0 : i32
    %dma_wait3A_18 = tpu.memref_slice %arg9[%dma_wait3A_16, %dma_wait3A_17] : memref<10240x128xf32, #tpu.memory_space<vmem_shared>> -> memref<10240x128xf32, #tpu.memory_space<vmem_shared>>
    tpu.wait_indirect_dma semaphore(%arg31 : memref<!tpu.dma_semaphore, #tpu.memory_space<semaphore_mem>>) src(%arg11 : memref<40x128xf32, #tpu.memory_space<vmem>>) dst(%dma_wait3A_18 : memref<10240x128xf32, #tpu.memory_space<vmem_shared>>)
    %dma_wait3A_19 = arith.constant 0 : i32
    %dma_wait3A_20 = arith.constant 0 : i32
    %dma_wait3A_21 = tpu.memref_slice %arg9[%dma_wait3A_19, %dma_wait3A_20] : memref<10240x128xf32, #tpu.memory_space<vmem_shared>> -> memref<10240x128xf32, #tpu.memory_space<vmem_shared>>
    tpu.wait_indirect_dma semaphore(%arg32 : memref<!tpu.dma_semaphore, #tpu.memory_space<semaphore_mem>>) src(%arg12 : memref<40x128xf32, #tpu.memory_space<vmem>>) dst(%dma_wait3A_21 : memref<10240x128xf32, #tpu.memory_space<vmem_shared>>)
    %dma_wait3A_22 = arith.constant 0 : i32
    %dma_wait3A_23 = arith.constant 0 : i32
    %dma_wait3A_24 = tpu.memref_slice %arg9[%dma_wait3A_22, %dma_wait3A_23] : memref<10240x128xf32, #tpu.memory_space<vmem_shared>> -> memref<10240x128xf32, #tpu.memory_space<vmem_shared>>
    tpu.wait_indirect_dma semaphore(%arg33 : memref<!tpu.dma_semaphore, #tpu.memory_space<semaphore_mem>>) src(%arg13 : memref<40x128xf32, #tpu.memory_space<vmem>>) dst(%dma_wait3A_24 : memref<10240x128xf32, #tpu.memory_space<vmem_shared>>)
    %dma_wait3A_25 = arith.constant 0 : i32
    %dma_wait3A_26 = arith.constant 0 : i32
    %dma_wait3A_27 = tpu.memref_slice %arg9[%dma_wait3A_25, %dma_wait3A_26] : memref<10240x128xf32, #tpu.memory_space<vmem_shared>> -> memref<10240x128xf32, #tpu.memory_space<vmem_shared>>
    tpu.wait_indirect_dma semaphore(%arg34 : memref<!tpu.dma_semaphore, #tpu.memory_space<semaphore_mem>>) src(%arg14 : memref<40x128xf32, #tpu.memory_space<vmem>>) dst(%dma_wait3A_27 : memref<10240x128xf32, #tpu.memory_space<vmem_shared>>)
    %barrier3A_28 = arith.constant 0 : index
    tpu.barrier barrier_id(%barrier3A_28)
    %mul3A_29 = arith.constant 10240 : i32
    %mul3A_30 = arith.muli %arg0, %mul3A_29 : i32
    %add3A_31 = arith.addi %mul3A_30, %mul3A_0 : i32
    "tpu.region"() ({
      %run_scoped3A = tpu.sem_alloc : memref<!tpu.dma_semaphore, #tpu.memory_space<semaphore_mem>>
      %dma_start3A = arith.constant 0 : i32
      %dma_start3A_32 = tpu.memref_slice %arg7[%add3A_31, %dma_start3A] : memref<20480x128xf32, #tpu.memory_space<hbm>> -> memref<640x128xf32, #tpu.memory_space<hbm>>
      %dma_start3A_33 = arith.constant 0 : i32
      %dma_start3A_34 = tpu.memref_slice %arg9[%mul3A_0, %dma_start3A_33] : memref<10240x128xf32, #tpu.memory_space<vmem_shared>> -> memref<640x128xf32, #tpu.memory_space<vmem_shared>>
      tpu.enqueue_dma source(%dma_start3A_34 : memref<640x128xf32, #tpu.memory_space<vmem_shared>>) target(%dma_start3A_32 : memref<640x128xf32, #tpu.memory_space<hbm>>) target_semaphore(%run_scoped3A : memref<!tpu.dma_semaphore, #tpu.memory_space<semaphore_mem>>)
      %dma_wait3A_35 = arith.constant 0 : i32
      %dma_wait3A_36 = tpu.memref_slice %arg7[%add3A_31, %dma_wait3A_35] : memref<20480x128xf32, #tpu.memory_space<hbm>> -> memref<640x128xf32, #tpu.memory_space<hbm>>
      %dma_wait3A_37 = arith.constant 0 : i32
      %dma_wait3A_38 = tpu.memref_slice %arg9[%mul3A_0, %dma_wait3A_37] : memref<10240x128xf32, #tpu.memory_space<vmem_shared>> -> memref<640x128xf32, #tpu.memory_space<vmem_shared>>
      tpu.wait_dma2 semaphore(%run_scoped3A : memref<!tpu.dma_semaphore, #tpu.memory_space<semaphore_mem>>) src(%dma_wait3A_38 : memref<640x128xf32, #tpu.memory_space<vmem_shared>>) dst(%dma_wait3A_36 : memref<640x128xf32, #tpu.memory_space<hbm>>)
      tpu.yield
    }) : () -> ()
    return
  }
}

module attributes {stable_mosaic.version = 14 : i64} {
  func.func @_transpose_body(%arg0: memref<2x10240x128xf32, #tpu.memory_space<vmem>>, %arg1: memref<1x256x10000xf32, #tpu.memory_space<vmem>>) attributes {dimension_semantics = [], scalar_prefetch = 0 : i64, scratch_operands = 0 : i64, tpu.core_type = #tpu.core_type<tc>} {
    %get3A = arith.constant 0 : index
    %get3A_0 = arith.constant 0 : index
    %get3A_1 = arith.constant 0 : index
    %get3A_2 = vector.load %arg0[%get3A, %get3A_0, %get3A_1] : memref<2x10240x128xf32, #tpu.memory_space<vmem>>, vector<1x10000x128xf32>
    %get3A_3 = vector.shape_cast %get3A_2 : vector<1x10000x128xf32> to vector<10000x128xf32>
    %transpose3A = tpu.transpose %get3A_3, [1, 0] : vector<10000x128xf32> -> vector<128x10000xf32>
    %swap3A = arith.constant 0 : index
    %swap3A_4 = arith.constant 0 : index
    %swap3A_5 = arith.constant 0 : index
    %swap3A_6 = vector.load %arg1[%swap3A, %swap3A_4, %swap3A_5] : memref<1x256x10000xf32, #tpu.memory_space<vmem>>, vector<1x128x10000xf32>
    %swap3A_7 = vector.shape_cast %swap3A_6 : vector<1x128x10000xf32> to vector<128x10000xf32>
    %swap3A_8 = vector.shape_cast %transpose3A : vector<128x10000xf32> to vector<1x128x10000xf32>
    tpu.vector_store %arg1[%swap3A, %swap3A_4, %swap3A_5], %swap3A_8 {strides = array<i32>} : memref<1x256x10000xf32, #tpu.memory_space<vmem>>, vector<1x128x10000xf32>,
    %get3A_9 = arith.constant 1 : index
    %get3A_10 = arith.constant 0 : index
    %get3A_11 = arith.constant 0 : index
    %get3A_12 = vector.load %arg0[%get3A_9, %get3A_10, %get3A_11] : memref<2x10240x128xf32, #tpu.memory_space<vmem>>, vector<1x10000x128xf32>
    %get3A_13 = vector.shape_cast %get3A_12 : vector<1x10000x128xf32> to vector<10000x128xf32>
    %transpose3A_14 = tpu.transpose %get3A_13, [1, 0] : vector<10000x128xf32> -> vector<128x10000xf32>
    %swap3A_15 = arith.constant 0 : index
    %swap3A_16 = arith.constant 128 : index
    %swap3A_17 = arith.constant 0 : index
    %swap3A_18 = vector.load %arg1[%swap3A_15, %swap3A_16, %swap3A_17] : memref<1x256x10000xf32, #tpu.memory_space<vmem>>, vector<1x128x10000xf32>
    %swap3A_19 = vector.shape_cast %swap3A_18 : vector<1x128x10000xf32> to vector<128x10000xf32>
    %swap3A_20 = vector.shape_cast %transpose3A_14 : vector<128x10000xf32> to vector<1x128x10000xf32>
    tpu.vector_store %arg1[%swap3A_15, %swap3A_16, %swap3A_17], %swap3A_20 {strides = array<i32>} : memref<1x256x10000xf32, #tpu.memory_space<vmem>>, vector<1x128x10000xf32>,
    return
  }
}

module attributes {stable_mosaic.version = 14 : i64} {
  func.func @_matmul_body(%arg0: i32, %arg1: memref<2000x256xf32, #tpu.memory_space<vmem>>, %arg2: memref<256x256xf32, #tpu.memory_space<vmem>>, %arg3: memref<256x256xf32, #tpu.memory_space<vmem>>, %arg4: memref<1x256xf32, #tpu.memory_space<vmem>>, %arg5: memref<1x256xf32, #tpu.memory_space<vmem>>, %arg6: memref<2x2000x128xf32, #tpu.memory_space<vmem>>, %arg7: memref<2000x128xf32, #tpu.memory_space<vmem>>, %arg8: memref<2000x128xf32, #tpu.memory_space<vmem>>) attributes {dimension_semantics = [#tpu.dimension_semantics<arbitrary>], iteration_bounds = array<i64: 5>, scalar_prefetch = 0 : i64, scratch_operands = 0 : i64, tpu.core_type = #tpu.core_type<tc>, window_params = [{transform_indices = @transform_0, window_bounds = array<i64: 2000, 256>}, {pipeline_mode = #tpu.pipeline_mode<synchronous>, transform_indices = @transform_1, window_bounds = array<i64: 256, 256>}, {pipeline_mode = #tpu.pipeline_mode<synchronous>, transform_indices = @transform_2, window_bounds = array<i64: 256, 256>}, {pipeline_mode = #tpu.pipeline_mode<synchronous>, transform_indices = @transform_3, window_bounds = array<i64: 1, 256>}, {pipeline_mode = #tpu.pipeline_mode<synchronous>, transform_indices = @transform_4, window_bounds = array<i64: 1, 256>}, {transform_indices = @transform_5, window_bounds = array<i64: 2, 2000, 128>}, {transform_indices = @transform_6, window_bounds = array<i64: 2000, 128>}, {transform_indices = @transform_7, window_bounds = array<i64: 2000, 128>}]} {
    %get3A = arith.constant 0 : index
    %get3A_0 = arith.constant 0 : index
    %get3A_1 = vector.load %arg1[%get3A, %get3A_0] : memref<2000x256xf32, #tpu.memory_space<vmem>>, vector<2000x256xf32>
    %get3A_2 = arith.constant 0 : index
    %get3A_3 = arith.constant 0 : index
    %get3A_4 = vector.load %arg2[%get3A_2, %get3A_3] : memref<256x256xf32, #tpu.memory_space<vmem>>, vector<256x256xf32>
    %dot_general3A = arith.constant dense<0.000000e+00> : vector<2000x256xf32>
    %dot_general3A_5 = tpu.matmul %get3A_1, %get3A_4, %dot_general3A {dimension_numbers = #tpu.dot_dimension_numbers<[1], [0], [0], [1], [0, 0, 1, 1], [], []>, transpose_lhs_hint = false} : vector<2000x256xf32>, vector<256x256xf32>, vector<2000x256xf32> -> vector<2000x256xf32>
    %get3A_6 = arith.constant 0 : index
    %get3A_7 = arith.constant 0 : index
    %get3A_8 = vector.load %arg4[%get3A_6, %get3A_7] : memref<1x256xf32, #tpu.memory_space<vmem>>, vector<1x256xf32>
    %add3A = vector.broadcast %get3A_8 : vector<1x256xf32> to vector<2000x256xf32>
    %add3A_9 = arith.addf %dot_general3A_5, %add3A : vector<2000x256xf32>
    %get3A_10 = arith.constant 0 : index
    %get3A_11 = arith.constant 0 : index
    %get3A_12 = vector.load %arg3[%get3A_10, %get3A_11] : memref<256x256xf32, #tpu.memory_space<vmem>>, vector<256x256xf32>
    %dot_general3A_13 = arith.constant dense<0.000000e+00> : vector<2000x256xf32>
    %dot_general3A_14 = tpu.matmul %get3A_1, %get3A_12, %dot_general3A_13 {dimension_numbers = #tpu.dot_dimension_numbers<[1], [0], [0], [1], [0, 0, 1, 1], [], []>, transpose_lhs_hint = false} : vector<2000x256xf32>, vector<256x256xf32>, vector<2000x256xf32> -> vector<2000x256xf32>
    %get3A_15 = arith.constant 0 : index
    %get3A_16 = arith.constant 0 : index
    %get3A_17 = vector.load %arg5[%get3A_15, %get3A_16] : memref<1x256xf32, #tpu.memory_space<vmem>>, vector<1x256xf32>
    %add3A_18 = vector.broadcast %get3A_17 : vector<1x256xf32> to vector<2000x256xf32>
    %add3A_19 = arith.addf %dot_general3A_14, %add3A_18 : vector<2000x256xf32>
    %slice3A = vector.extract_strided_slice %add3A_9 {offsets = [0, 0], sizes = [2000, 128], strides = [1, 1]} : vector<2000x256xf32> to vector<2000x128xf32>
    %swap3A = arith.constant 0 : index
    %swap3A_20 = arith.constant 0 : index
    %swap3A_21 = arith.constant 0 : index
    %swap3A_22 = vector.load %arg6[%swap3A, %swap3A_20, %swap3A_21] : memref<2x2000x128xf32, #tpu.memory_space<vmem>>, vector<1x2000x128xf32>
    %swap3A_23 = vector.shape_cast %swap3A_22 : vector<1x2000x128xf32> to vector<2000x128xf32>
    %swap3A_24 = vector.shape_cast %slice3A : vector<2000x128xf32> to vector<1x2000x128xf32>
    tpu.vector_store %arg6[%swap3A, %swap3A_20, %swap3A_21], %swap3A_24 {strides = array<i32>} : memref<2x2000x128xf32, #tpu.memory_space<vmem>>, vector<1x2000x128xf32>,
    %slice3A_25 = vector.extract_strided_slice %add3A_9 {offsets = [0, 128], sizes = [2000, 128], strides = [1, 1]} : vector<2000x256xf32> to vector<2000x128xf32>
    %swap3A_26 = arith.constant 1 : index
    %swap3A_27 = arith.constant 0 : index
    %swap3A_28 = arith.constant 0 : index
    %swap3A_29 = vector.load %arg6[%swap3A_26, %swap3A_27, %swap3A_28] : memref<2x2000x128xf32, #tpu.memory_space<vmem>>, vector<1x2000x128xf32>
    %swap3A_30 = vector.shape_cast %swap3A_29 : vector<1x2000x128xf32> to vector<2000x128xf32>
    %swap3A_31 = vector.shape_cast %slice3A_25 : vector<2000x128xf32> to vector<1x2000x128xf32>
    tpu.vector_store %arg6[%swap3A_26, %swap3A_27, %swap3A_28], %swap3A_31 {strides = array<i32>} : memref<2x2000x128xf32, #tpu.memory_space<vmem>>, vector<1x2000x128xf32>,
    %slice3A_32 = vector.extract_strided_slice %add3A_19 {offsets = [0, 0], sizes = [2000, 128], strides = [1, 1]} : vector<2000x256xf32> to vector<2000x128xf32>
    %swap3A_33 = arith.constant 0 : index
    %swap3A_34 = arith.constant 0 : index
    %swap3A_35 = vector.load %arg7[%swap3A_33, %swap3A_34] : memref<2000x128xf32, #tpu.memory_space<vmem>>, vector<2000x128xf32>
    tpu.vector_store %arg7[%swap3A_33, %swap3A_34], %slice3A_32 {strides = array<i32>} : memref<2000x128xf32, #tpu.memory_space<vmem>>, vector<2000x128xf32>,
    %slice3A_36 = vector.extract_strided_slice %add3A_19 {offsets = [0, 128], sizes = [2000, 128], strides = [1, 1]} : vector<2000x256xf32> to vector<2000x128xf32>
    %swap3A_37 = arith.constant 0 : index
    %swap3A_38 = arith.constant 0 : index
    %swap3A_39 = vector.load %arg8[%swap3A_37, %swap3A_38] : memref<2000x128xf32, #tpu.memory_space<vmem>>, vector<2000x128xf32>
    tpu.vector_store %arg8[%swap3A_37, %swap3A_38], %slice3A_36 {strides = array<i32>} : memref<2000x128xf32, #tpu.memory_space<vmem>>, vector<2000x128xf32>,
    return
  }
  func.func @transform_0(%arg0: i32) -> (i32, i32) {
    %c0_i32 = arith.constant 0 : i32
    %c0_i32_0 = arith.constant 0 : i32
    return %arg0, %c0_i32 : i32, i32
  }
  func.func @transform_1(%arg0: i32) -> (i32, i32) {
    %c0_i32 = arith.constant 0 : i32
    %c0_i32_0 = arith.constant 0 : i32
    %c0_i32_1 = arith.constant 0 : i32
    return %c0_i32, %c0_i32_0 : i32, i32
  }
  func.func @transform_2(%arg0: i32) -> (i32, i32) {
    %c0_i32 = arith.constant 0 : i32
    %c0_i32_0 = arith.constant 0 : i32
    %c0_i32_1 = arith.constant 0 : i32
    return %c0_i32, %c0_i32_0 : i32, i32
  }
  func.func @transform_3(%arg0: i32) -> (i32, i32) {
    %c0_i32 = arith.constant 0 : i32
    %c0_i32_0 = arith.constant 0 : i32
    %c0_i32_1 = arith.constant 0 : i32
    return %c0_i32, %c0_i32_0 : i32, i32
  }
  func.func @transform_4(%arg0: i32) -> (i32, i32) {
    %c0_i32 = arith.constant 0 : i32
    %c0_i32_0 = arith.constant 0 : i32
    %c0_i32_1 = arith.constant 0 : i32
    return %c0_i32, %c0_i32_0 : i32, i32
  }
  func.func @transform_5(%arg0: i32) -> (i32, i32, i32) {
    %c0_i32 = arith.constant 0 : i32
    %c0_i32_0 = arith.constant 0 : i32
    %c0_i32_1 = arith.constant 0 : i32
    return %c0_i32, %arg0, %c0_i32_0 : i32, i32, i32
  }
  func.func @transform_6(%arg0: i32) -> (i32, i32) {
    %c0_i32 = arith.constant 0 : i32
    %c0_i32_0 = arith.constant 0 : i32
    return %arg0, %c0_i32 : i32, i32
  }
  func.func @transform_7(%arg0: i32) -> (i32, i32) {
    %c0_i32 = arith.constant 0 : i32
    %c0_i32_0 = arith.constant 0 : i32
    return %arg0, %c0_i32 : i32, i32
  }
}

</mosaic_0001>

<sc_bundles>
// kernel: kernel.5.cloned.1.call-start
scs
__scs_entry_jumppad:
0x0: {  	(pc) =	sbr.rel $0x88, $3  }
0x1: {  	(tag) =	ssettag $0x0;
	lr =	simm.s32 $0x1  }
0x2: {  	[smem:$0x3F9A] =	sst lr;
	_ =	strace $0xD0000000  }
0x3: {  	_ = 	snop  }
0x4: {  	_ = 	snop  }
0x5: {  	_ = 	snop  }
0x6: {  	_ = 	snop  }
0x7: {  	_ = 	snop  }
__scs_overlays_trampoline_lowered:
0x8: {  	[smem:$0x3FA9] =	sst s0  }
0x9: {  	[smem:$0x3FAA] =	sst s1  }
0xa: {  	[smem:$0x3FAB] =	sst s2  }
0xb: {  	[smem:$0x3FAC] =	sst s3  }
0xc: {  	[smem:$0x3FAD] =	sst s4  }
0xd: {  	[smem:$0x3FAE] =	sst s5  }
0xe: {  	[smem:$0x3FAF] =	sst s6  }
0xf: {  	[smem:$0x3FB0] =	sst s7  }
0x10: {  	[smem:$0x3FB1] =	sst s8  }
0x11: {  	[smem:$0x3FB2] =	sst s9;
	s0 =	simm.s32 @!p0 $0x0  }
0x12: {  	s1 =	sld [smem:$0x3F98];
	s0 =	simm.s32 @p0 $0x1  }
0x13: {  	[smem:$0x3FB3] =	sst s0;
	s0 =	simm.s32 @!p1 $0x0  }
0x14: {  	s2 =	sld [smem:$0x3F97];
	s0 =	simm.s32 @p1 $0x1  }
0x15: {  	[smem:$0x3FB4] =	sst s0;
	s0 =	simm.s32 @!p2 $0x0  }
0x16: {  	s3 =	sld [smem:$0x3FDB];
	s0 =	simm.s32 @p2 $0x1  }
0x17: {  	s4 =	simm.s32 $0x1BF5;
	[smem:$0x3FB6] =	sst s0  }
0x18: {  	s0 =	sld [smem:$0x3F99];
	_ =	swait.ge [sflag:s4], $0x0  }
0x19: {  	s7 =	sld [smem:$0x3F9A]  }
0x1a: {  	s8 =	sadd.s32 $0xFFFFE003, lr  }
0x1b: {  	s9 =	sadd.s32 $0xFFFFFEF7, lr;
	s5 =	simm.s32 $0xFFFFFFFF;
	p2 =	slt.u32 s8, $0xFFFFF086  }
0x1c: {  	p1 =	slt.u32 s9, $0xF7A;
	s5 =	simm.s32 @!p2 $0x0  }
0x1d: {  	s5 =	simm.s32 @p1 $0x1;
	p0 =	seq.s32 s7, s2  }
0x1e: {  	s7 =	smul.u32 @!p0 $0xF7A, s2;
	p2 =	seq.s32 @!p0 s5, $0x0  }
0x1f: {  	s9 =	smul.u32 $0xF7A, s1;
	s8 =	simm.s32 @!p0 $0x1BF5;
	p2 =	por !p2, p0  }
0x20: {  	[sflag:s8] =	ssyncset.s32 @!p0 $0xFFFFF086;
	s6 =	sadd.s32 @!p0 s3, s7;
	s7 =	simm.s32 @!p0 $0x108  }
0x21: {  	s3 =	sadd.s32 s3, s9;
	s6 =	sadd.s32 @!p0 $0x88, s6;
	s7 =	simm.s32 @p2 $0x1082  }
0x22: {  	[simem:s7], [sflag:s8] =	dma.local @!p0 [hbm:s6], $0xF7A  }
0x23: {  	s9 =	sor.u32 $0xD0000000, s2;
	s6 =	simm.s32 $0x108;
	_ =	swait.ge @!p0 [sflag:s8], $0x0  }
0x24: {  	s3 =	sadd.s32 $0x88, s3;
	s6 =	simm.s32 @!p1 $0x1082;
	[sflag:s4] =	ssyncset.s32 $0xFFFFF086  }
0x25: {  	[simem:s6], [sflag:s4] =	dma.local [hbm:s3], $0xF7A  }
0x26: {  	[smem:$0x3F9A] =	sst s1;
	(tag) =	ssettag s2;
	_ =	strace s9  }
0x27: {  	s1 =	sld [smem:$0x3FAA]  }
0x28: {  	s2 =	sld [smem:$0x3FAB]  }
0x29: {  	s4 =	sld [smem:$0x3FAD]  }
0x2a: {  	p0 =	seq.s32 s5, $0x0;
	s5 =	sld [smem:$0x3FAE]  }
0x2b: {  	s6 =	sld [smem:$0x3FAF]  }
0x2c: {  	s7 =	sld [smem:$0x3FB0]  }
0x2d: {  	s3 =	simm.s32 $0x108;
	s8 =	sld [smem:$0x3FB1]  }
0x2e: {  	s3 =	simm.s32 @!p0 $0x1082;
	s9 =	sld [smem:$0x3FB2]  }
0x2f: {  	lr =	sadd.s32 s0, s3;
	s0 =	sld [smem:$0x3FA9]  }
0x30: {  	s3 =	sld [smem:$0x3FAC]  }
0x31: {  	[smem:$0x3FB5] =	sst s10  }
0x32: {  	s10 =	sld [smem:$0x3FB3];
	_ =	sdelay $0x3  }
0x33: {  	p0 =	seq.s32 s10, $0x1;
	s10 =	sld [smem:$0x3FB5];
	_ =	sdelay $0x3  }
0x34: {  	[smem:$0x3FB5] =	sst s10  }
0x35: {  	s10 =	sld [smem:$0x3FB4];
	_ =	sdelay $0x3  }
0x36: {  	p1 =	seq.s32 s10, $0x1;
	s10 =	sld [smem:$0x3FB5];
	_ =	sdelay $0x3  }
0x37: {  	[smem:$0x3FB5] =	sst s10  }
0x38: {  	s10 =	sld [smem:$0x3FB6]  }
0x39: {  	_ = 	snop;
	(pc) =	sbr.ind lr, $3  }
0x3a: {  	_ = 	snop  }
0x3b: {  	_ = 	snop  }
0x3c: {  	p2 =	seq.s32 s10, $0x1;
	s10 =	sld [smem:$0x3FB5]  }
0x3d: {  	_ =	shalt  }
0x3e: {  	_ =	shalt  }
0x3f: {  	_ =	shalt  }
0x40: {  	_ =	shalt  }
0x41: {  	_ =	shalt  }
0x42: {  	_ =	shalt  }
0x43: {  	_ =	shalt  }
0x44: {  	_ =	shalt  }
0x45: {  	_ =	shalt  }
0x46: {  	_ =	shalt  }
0x47: {  	_ =	shalt  }
0x48: {  	_ =	shalt  }
0x49: {  	_ =	shalt  }
0x4a: {  	_ =	shalt  }
0x4b: {  	_ =	shalt  }
0x4c: {  	_ =	shalt  }
0x4d: {  	_ =	shalt  }
0x4e: {  	_ =	shalt  }
0x4f: {  	_ =	shalt  }
0x50: {  	_ =	shalt  }
0x51: {  	_ =	shalt  }
0x52: {  	_ =	shalt  }
0x53: {  	_ =	shalt  }
0x54: {  	_ =	shalt  }
0x55: {  	_ =	shalt  }
0x56: {  	_ =	shalt  }
0x57: {  	_ =	shalt  }
0x58: {  	_ =	shalt  }
0x59: {  	_ =	shalt  }
0x5a: {  	_ =	shalt  }
0x5b: {  	_ =	shalt  }
0x5c: {  	_ =	shalt  }
0x5d: {  	_ =	shalt  }
0x5e: {  	_ =	shalt  }
0x5f: {  	_ =	shalt  }
0x60: {  	_ =	shalt  }
0x61: {  	_ =	shalt  }
0x62: {  	_ =	shalt  }
0x63: {  	_ =	shalt  }
0x64: {  	_ =	shalt  }
0x65: {  	_ =	shalt  }
0x66: {  	_ =	shalt  }
0x67: {  	_ =	shalt  }
0x68: {  	_ =	shalt  }
0x69: {  	_ =	shalt  }
0x6a: {  	_ =	shalt  }
0x6b: {  	_ =	shalt  }
0x6c: {  	_ =	shalt  }
0x6d: {  	_ =	shalt  }
0x6e: {  	_ =	shalt  }
0x6f: {  	_ =	shalt  }
0x70: {  	_ =	shalt  }
0x71: {  	_ =	shalt  }
0x72: {  	_ =	shalt  }
0x73: {  	_ =	shalt  }
0x74: {  	_ =	shalt  }
0x75: {  	_ =	shalt  }
0x76: {  	_ =	shalt  }
0x77: {  	_ =	shalt  }
0x78: {  	_ =	shalt  }
0x79: {  	_ =	shalt  }
0x7a: {  	_ =	shalt  }
0x7b: {  	_ =	shalt  }
0x7c: {  	_ =	shalt  }
0x7d: {  	_ =	shalt  }
0x7e: {  	_ =	shalt  }
0x7f: {  	_ =	shalt  }
0x80: {  	_ =	shalt  }
0x81: {  	_ =	shalt  }
0x82: {  	_ =	shalt  }
0x83: {  	_ =	shalt  }
0x84: {  	_ =	shalt  }
0x85: {  	_ =	shalt  }
0x86: {  	_ =	shalt  }
0x87: {  	_ =	shalt  }
.Lfunc_end0:
.L_simem_size_0:
called_computation_lowered:
.L_overlay_start_0:
0x88: {  	s2 =	sld [smem:$0x3FD9]  }
0x89: {  	s3 =	sld [smem:$0x3FFE];
	_ =	sdelay $0x1  }
0x8a: {  	s1 =	srdreg.scid  }
0x8b: {  	s0 =	sand.u32 $0x1, s1  }
0x8c: {  	s17 =	sshll.u32 s0, $0xA;
	s2 =	sadd.s32 s3, s2  }
0x8d: {  	s2 =	sadd.s32 s2, s17  }
0x8e: {  	[smem:$0x3FC1] =	sst s2  }
0x8f: {  	_ = 	snop  }
0x90: {  	s2 =	sld [smem:$0x3FC4]  }
0x91: {  	s18 =	sld [smem:$0x3FC3]  }
0x92: {  	s4 =	sld [smem:$0x3FD0];
	(tm) =	ssettm $0x1  }
0x93: {  	s5 =	sld [smem:$0x3FFB];
	_ =	sdelay $0x3  }
0x94: {  	_ =	strace s5  }
0x95: {  	s5 =	sld [smem:$0x3FFC];
	_ =	sdelay $0x3  }
0x96: {  	_ =	strace s5  }
0x97: {  	s5 =	sld [smem:$0x3FFD];
	_ =	sdelay $0x3  }
0x98: {  	_ =	strace s5  }
0x99: {  	_ =	strace $0x8FFFFFFF  }
0x9a: {  	s19 =	sld [smem:$0x3FDB];
	_ =	sdelay $0x1  }
0x9b: {  	s6 =	simm.s32 $_scs_section_size  }
0x9c: {  	s7 =	simm.s32 $_size__tile_overlayer_lowered;
	s8 =	simm.s32 $_tile_overlayer_lowered  }
0x9d: {  	s22 =	simm.s32 $0x1BFF;
	s21 =	sshll.u32 s8, $0x1;
	s5 =	sadd.s32 s6, s19  }
0x9e: {  	s9 =	simm.s32 $0x0;
	s20 =	sshll.u32 s7, $0x1;
	s7 =	sadd.s32 s21, s5  }
0x9f: {  	[timem:s9], [sflag:s22] =	dma.local [hbm:s7], s20  }
0xa0: {  	_ =	swait.ge [sflag:s22], s20  }
0xa1: {  	s6 =	ssub.s32 $0x0, s20;
	[sflag:s22] =	ssyncset.done $0x0  }
0xa2: {  	[sflag:s22] =	ssyncadd.s32 s6;
	_ =	sdelay $0x1  }
0xa3: {  	s23 =	simm.s32 $0x1B8B  }
0xa4: {  	_ =	swait.ge [sflag:s23], $0x1  }
0xa5: {  	[sflag:s23] =	ssyncset.done $0x0  }
0xa6: {  	s25 =	simm.s32 $0x1B8E;
	s24 =	sld [smem:$0x3FFE];
	[sflag:s23] =	ssyncadd.s32 $0xFFFFFFFF  }
0xa7: {  	s26 =	simm.s32 $execute0_lowered;
	[smem:$0x3FD2] =	sst s25  }
0xa8: {  	s7 =	sshll.u32 s26, $0x1;
	_ =	strace $0x80000046;
	[dreg:$0x1] =	wrdreg $0xFFFFFFFF  }
0xa9: {  	s28 =	simm.s32 $_size_execute0_lowered;
	s5 =	sadd.s32 s5, s7;
	[dreg:$0x0] =	wrdreg $0x0  }
0xaa: {  	s7 =	sshll.u32 s28, $0x1;
	[dreg:$0x2] =	wrdreg s5  }
0xab: {  	[dreg:$0x3] =	wrdreg s7  }
0xac: {  	[dreg:$0x4] =	wrdreg $0xC0  }
0xad: {  	_ =	task [dreg:s9], $0x5FFFF  }
0xae: {  	[dreg:$0x1] =	wrdreg $0xFFFFFFFF  }
0xaf: {  	[dreg:$0x0] =	wrdreg $0x60  }
0xb0: {  	[dreg:$0x2] =	wrdreg s4  }
0xb1: {  	[dreg:$0x3] =	wrdreg s24  }
0xb2: {  	[dreg:$0x4] =	wrdreg s18  }
0xb3: {  	[dreg:$0x5] =	wrdreg s2  }
0xb4: {  	[dreg:$0x6] =	wrdreg $0x27800  }
0xb5: {  	[dreg:$0x7] =	wrdreg $0x9  }
0xb6: {  	_ =	task.clear_ibuf [dreg:s9], $0x8FFFF;
	_ =	strace $0x90000046  }
0xb7: {  	s29 =	simm.s32 $0x9;
	_ =	strace $0x80000048  }
0xb8: {  	_ =	swait.ge [sflag:s29], $0x1  }
0xb9: {  	[sflag:s29] =	ssyncadd.s32 $0xFFFFFFFF  }
0xba: {  	_ =	strace $0x90000048  }
0xbb: {  	_ =	sfence  }
0xbc: {  	s30 =	sld [smem:$0x0];
	_ =	sdelay $0x2  }
0xbd: {  	s31 =	sshll.u32 s1, $0xD;
	s1 =	sshrl.u32 s1, $0x2  }
0xbe: {  	s3 =	sand.u32 $0x4000, s31;
	s1 =	sadd.s32 s1, s30  }
0xbf: {  	s0 =	sor.u32 s3, s0;
	s1 =	sshll.u32 s1, $0x11  }
0xc0: {  	s0 =	sor.u32 s1, s0  }
0xc1: {  	s0 =	sadd.s32 $0x8F2B, s0  }
0xc2: {  	[sflag:s0] =	ssyncadd.remote.s32 $0x1  }
0xc3: {  	_ =	sfence.sel $0xFFFF  }
0xc4: {  	[dreg:$0x0] =	wrdreg $0xFFFFFFFF;
	(pc) =	sbr.abs _section_cstart, $3  }
0xc5: {  	[dreg:$0x1] =	wrdreg $0xFFFFFFFF  }
0xc6: {  	_ =	task.clear_ibuf [dreg:s9], $0x2FFFF;
	_ =	strace $0x9FFFFFFF  }
0xc7: {  	(tm) =	ssettm $0x7FFFFFFF  }
tec
execute0_lowered:
.L_overlay_start_1:
0x0: {  	(tag) =	ssettag $0x1  }
0x1: {  	s0 =	rddreg [dreg:$0x0]  }
0x2: {  	s1 =	rddreg [dreg:$0x1]  }
0x3: {  	s2 =	rddreg [dreg:$0x2]  }
0x4: {  	s6 =	rddreg [dreg:$0x3]  }
0x5: {  	s4 =	srdreg.scid;
	s13 =	stileid.u32  }
0x6: {  	s3 =	rddreg [dreg:$0x4];
	s8 =	smul.u32 $0x280, s13  }
0x7: {  	s29 =	simm.s32 $0x1CB80;
	s15 =	simm.s32 $0x17B80;
	s9 =	smul.u32 $0x50000, s13  }
0x8: {  	s30 =	simm.s32 $0x3;
	s31 =	simm.s32 $0x8;
	s12 =	smul.u32 $0x2710, s13  }
0x9: {  	s7 =	sand.u32 $0x1, s4;
	s4 =	simm.s32 $0x0;
	s24 =	smul.u32 $0x4E2, s13  }
0xa: {  	s19 =	sshll.u32 s13, $0x6;
	s13 =	simm.s32 $0x0;
	s5 =	smul.u32 $0x2800, s7  }
0xb: {  	[smem:$0x7FF] =	sst s4;
	s10 =	ssub.s32 $0x2, s7;
	p0 =	seq.s32 s7, $0x1  }
0xc: {  	_ =	strace $0x80000047;
	s11 =	sshrl.u32 s10, $0x1;
	s9 =	sshrl.u32 s9, $0x2  }
0xd: {  	s20 =	sshrl.u32 s12, $0x3;
	s21 =	sadd.s32 $0x28, s12;
	s22 =	sadd.s32 $0x78, s12  }
0xe: {  	s26 =	sadd.s32 s24, s6;
	s24 =	simm.s32 $0x6;
	s12 =	simm.s32 $0xA  }
0xf: {  	s8 =	sadd.s32 s8, s5;
	s5 =	sadd.s32 $0x51200, s1;
	s16 =	ssub.s32 s10, s11  }
0x10: {  	s17 =	sadd.s32 s9, s3;
	s9 =	sor.u32 $0x1C10, s19;
	s2 =	sadd.s32 s2, s20  }
0x11: {  	s23 =	sshrl.u32 s22, $0x3;
	[dreg:$0xc] =	wrdreg s26;
	s22 =	simm.s32 $0x18F80  }
0x12: {  	s20 =	simm.s32 $0x1CD80;
	s26 =	simm.s32 $0x7;
	s10 =	simm.s32 $0x1CC00  }
0x13: {  	s11 =	simm.s32 $0x5;
	s8 =	sshll.u32 s8, $0x4;
	[dreg:$0x9] =	wrdreg s2  }
0x14: {  	s2 =	sshrl.u32 s21, $0x3;
	s28 =	sadd.s32 s6, s23;
	s25 =	smax.u32 s16, $0x1  }
0x15: {  	s7 =	sshrl.u32 s17, $0x3;
	s17 =	simm.s32 $0x28;
	s16 =	simm.s32 $0x16780  }
0x16: {  	s21 =	simm.s32 $0x1CC80;
	s23 =	simm.s32 $0x1;
	[dreg:$0x8] =	wrdreg s9  }
.Ltmp0:
0x17: {  	s1 =	sadd.s32 s8, s1;
	[dreg:$0xb] =	wrdreg s25;
	(pc) =	sbr.rel .LBB2_1-.Ltmp0, $4  }
0x18: {  	s19 =	sadd.s32 s6, s2;
	s8 =	simm.s32 $0x10;
	[dreg:$0xd] =	wrdreg s7  }
0x19: {  	s25 =	simm.s32 $0x2;
	s18 =	sadd.s32 $0x1200, s1;
	[dreg:$0x6] =	wrdreg s19  }
0x1a: {  	s2 =	simm.s32 $0x9;
	s1 =	sadd.s32 $0x79200, s1;
	[dreg:$0x7] =	wrdreg s18  }
0x1b: {  	[dreg:$0xa] =	wrdreg s1;
	s18 =	simm.s32 $0x1B780;
	s1 =	simm.s32 $0x4  }
.LBB2_7:
0x1c: {  	s6 =	simm.s32 @!p2 $0xB;
	[sflag:s12] =	ssyncadd.s32 $0xFFFFFFD8;
	s7 =	simm.s32 $0x1CD80  }
0x1d: {  	[spmem:s3] =	stream.indirect.scatter.add.f32 [tilespmem:s18], [sflag:$0xF], $0x80, s7, s17, $0xb8;
	[tilespmem:$0x1CE00] =	vst v63  }
0x1e: {  	_ =	swait.ge @!p2 [sflag:s6], $0x1400  }
0x1f: {  	[sflag:s6] =	ssyncset.done @!p2 $0x0  }
0x20: {  	[sflag:s6] =	ssyncadd.s32 @!p2 $0xFFFFEC00  }
0x21: {  	[tilespmem:s29], [sflag:$0x6] =	stream.linear.gather [hbm4b:s14+s22], $0x28, $0x38;
	[tilespmem:$0x1CE00] =	vst v63  }
0x22: {  	s8 =	simm.s32 @p2 $0x0;
	s6 =	sshra.s32 s15, $0x2  }
0x23: {  	[tilespmem:s16], [sflag:$0x1] =	stream.indirect.gather [hbm4b:s5+s17], $0x80, s6, s17, $0xb8;
	[tilespmem:$0x1CE00] =	vst v63  }
0x24: {  	s9 =	simm.s32 @p2 $0x1CC00;
	s10 =	sshra.s32 @p2 s15, $0x2;
	s13 =	simm.s32 @p2 $0x28  }
0x25: {  	[tilespmem:s9], [sflag:$0x7] =	stream.linear.gather @p2 [hbm4b:s19+s8], $0x28, $0x38;
	[tilespmem:$0x1CE00] =	vst v63  }
0x26: {  	s7 =	simm.s32 @!p2 $0xC;
	s16 =	simm.s32 @p2 $0x17B80;
	s9 =	sadd.s32 @p2 $0x28, s10  }
0x27: {  	[tilespmem:s16], [sflag:$0x2] =	stream.indirect.gather @p2 [hbm4b:s5+s13], $0x80, s9, s13, $0xb8;
	[tilespmem:$0x1CE00] =	vst v63  }
0x28: {  	_ =	swait.ge @!p2 [sflag:s7], $0x1400  }
0x29: {  	s15 =	sshra.s32 @!p2 s15, $0x2;
	s9 =	simm.s32 @!p2 $0x1CC00;
	[sflag:s7] =	ssyncset.done @!p2 $0x0  }
0x2a: {  	s16 =	simm.s32 @!p2 $0x0;
	[sflag:s7] =	ssyncadd.s32 @!p2 $0xFFFFEC00;
	s7 =	sadd.s32 @!p2 $0x5, s14  }
0x2b: {  	[tilespmem:s9], [sflag:$0x7] =	stream.linear.gather @!p2 [hbm4b:s7+s16], $0x28, $0x38;
	[tilespmem:$0x1CE00] =	vst v63  }
0x2c: {  	s18 =	simm.s32 @!p2 $0x17B80;
	s7 =	sadd.s32 @!p2 $0x28, s15;
	s9 =	simm.s32 @!p2 $0x28  }
0x2d: {  	[tilespmem:s18], [sflag:$0x2] =	stream.indirect.gather @!p2 [hbm4b:s5+s9], $0x80, s7, s9, $0xb8;
	[tilespmem:$0x1CE00] =	vst v63  }
0x2e: {  	s7 =	simm.s32 @!p2 $0xD  }
0x2f: {  	_ =	swait.ge @!p2 [sflag:s7], $0x1400  }
0x30: {  	[sflag:s7] =	ssyncset.done @!p2 $0x0  }
0x31: {  	s21 =	simm.s32 $0x1CC80;
	[sflag:s7] =	ssyncadd.s32 @!p2 $0xFFFFEC00;
	s7 =	sadd.s32 $0xA, s14  }
0x32: {  	[tilespmem:s21], [sflag:$0x8] =	stream.linear.gather [hbm4b:s7+s22], $0x28, $0x38;
	[tilespmem:$0x1CE00] =	vst v63  }
0x33: {  	s7 =	sadd.s32 $0x50, s6  }
0x34: {  	[tilespmem:s20], [sflag:$0x3] =	stream.indirect.gather [hbm4b:s5+s17], $0x80, s7, s17, $0xb8;
	[tilespmem:$0x1CE00] =	vst v63  }
0x35: {  	s7 =	simm.s32 @p2 $0x1CD00  }
0x36: {  	[tilespmem:s7], [sflag:$0x9] =	stream.linear.gather @p2 [hbm4b:s4+s8], $0x28, $0x38;
	[tilespmem:$0x1CE00] =	vst v63  }
0x37: {  	s7 =	sadd.s32 @p2 $0x78, s10;
	s8 =	simm.s32 @p2 $0x1A380  }
0x38: {  	[tilespmem:s8], [sflag:$0x4] =	stream.indirect.gather @p2 [hbm4b:s5+s13], $0x80, s7, s13, $0xb8;
	[tilespmem:$0x1CE00] =	vst v63  }
0x39: {  	s7 =	simm.s32 @!p2 $0xE  }
0x3a: {  	_ =	swait.ge @!p2 [sflag:s7], $0x1400  }
0x3b: {  	[sflag:s7] =	ssyncset.done @!p2 $0x0  }
0x3c: {  	s8 =	simm.s32 @!p2 $0x1CD00;
	[sflag:s7] =	ssyncadd.s32 @!p2 $0xFFFFEC00;
	s7 =	sadd.s32 @!p2 $0xF, s14  }
0x3d: {  	[tilespmem:s8], [sflag:$0x9] =	stream.linear.gather @!p2 [hbm4b:s7+s16], $0x28, $0x38;
	[tilespmem:$0x1CE00] =	vst v63  }
0x3e: {  	s7 =	sadd.s32 @!p2 $0x78, s15;
	s8 =	simm.s32 @!p2 $0x1A380  }
0x3f: {  	[tilespmem:s8], [sflag:$0x4] =	stream.indirect.gather @!p2 [hbm4b:s5+s9], $0x80, s7, s9, $0xb8;
	[tilespmem:$0x1CE00] =	vst v63  }
0x40: {  	s7 =	simm.s32 @!p2 $0xF  }
0x41: {  	_ =	swait.ge @!p2 [sflag:s7], $0x1400  }
0x42: {  	[sflag:s7] =	ssyncset.done @!p2 $0x0  }
0x43: {  	s10 =	sadd.s32 $0x14, s14;
	s13 =	simm.s32 $0x1CD80;
	[sflag:s7] =	ssyncadd.s32 @!p2 $0xFFFFEC00  }
0x44: {  	[tilespmem:s13], [sflag:$0xA] =	stream.linear.gather [hbm4b:s10+s22], $0x28, $0x38;
	[tilespmem:$0x1CE00] =	vst v63  }
0x45: {  	s18 =	simm.s32 $0x1B780;
	s6 =	sadd.s32 $0xA0, s6  }
0x46: {  	[tilespmem:s18], [sflag:$0x5] =	stream.indirect.gather [hbm4b:s5+s17], $0x80, s6, s17, $0xb8;
	[tilespmem:$0x1CE00] =	vst v63  }
0x47: {  	_ =	swait.ge [sflag:s23], $0x1400  }
0x48: {  	[sflag:s23] =	ssyncset.done $0x0  }
0x49: {  	[sflag:s23] =	ssyncadd.s32 $0xFFFFEC00  }
0x4a: {  	_ =	swait.ge [sflag:s24], $0x28  }
0x4b: {  	[sflag:s24] =	ssyncset.done $0x0  }
0x4c: {  	s16 =	simm.s32 $0x16780;
	[sflag:s24] =	ssyncadd.s32 $0xFFFFFFD8  }
0x4d: {  	[spmem:s3] =	stream.indirect.scatter.add.f32 [tilespmem:s16], [sflag:$0xB], $0x80, s29, s17, $0xb8;
	[tilespmem:$0x1CE00] =	vst v63  }
0x4e: {  	_ =	swait.ge [sflag:s25], $0x1400  }
0x4f: {  	[sflag:s25] =	ssyncset.done $0x0  }
0x50: {  	[sflag:s25] =	ssyncadd.s32 $0xFFFFEC00  }
0x51: {  	_ =	swait.ge [sflag:s26], $0x28  }
0x52: {  	[sflag:s26] =	ssyncset.done $0x0  }
0x53: {  	s14 =	simm.s32 $0x1CC00;
	s15 =	simm.s32 $0x17B80;
	[sflag:s26] =	ssyncadd.s32 $0xFFFFFFD8  }
0x54: {  	[spmem:s3] =	stream.indirect.scatter.add.f32 [tilespmem:s15], [sflag:$0xC], $0x80, s14, s17, $0xb8;
	[tilespmem:$0x1CE00] =	vst v63  }
0x55: {  	_ =	swait.ge [sflag:s30], $0x1400  }
0x56: {  	[sflag:s30] =	ssyncset.done $0x0  }
0x57: {  	[sflag:s30] =	ssyncadd.s32 $0xFFFFEC00  }
0x58: {  	_ =	swait.ge [sflag:s31], $0x28  }
0x59: {  	[sflag:s31] =	ssyncset.done $0x0  }
0x5a: {  	[sflag:s31] =	ssyncadd.s32 $0xFFFFFFD8  }
0x5b: {  	[spmem:s3] =	stream.indirect.scatter.add.f32 [tilespmem:s20], [sflag:$0xD], $0x80, s21, s17, $0xb8;
	[tilespmem:$0x1CE00] =	vst v63  }
0x5c: {  	_ =	swait.ge [sflag:s1], $0x1400  }
0x5d: {  	[sflag:s1] =	ssyncset.done $0x0  }
0x5e: {  	[sflag:s1] =	ssyncadd.s32 $0xFFFFEC00  }
0x5f: {  	_ =	swait.ge [sflag:s2], $0x28  }
0x60: {  	[sflag:s2] =	ssyncset.done $0x0  }
0x61: {  	s22 =	simm.s32 $0x1A380;
	s21 =	simm.s32 $0x1CD00;
	[sflag:s2] =	ssyncadd.s32 $0xFFFFFFD8  }
0x62: {  	[spmem:s3] =	stream.indirect.scatter.add.f32 [tilespmem:s22], [sflag:$0xE], $0x80, s21, s17, $0xb8;
	[tilespmem:$0x1CE00] =	vst v63  }
0x63: {  	_ =	swait.ge [sflag:s11], $0x1400  }
0x64: {  	[sflag:s11] =	ssyncset.done $0x0  }
0x65: {  	[sflag:s11] =	ssyncadd.s32 $0xFFFFEC00  }
0x66: {  	s28 =	smov.u32 s4;
	_ =	swait.ge [sflag:s12], $0x28  }
0x67: {  	s4 =	simm.s32 $0x0;
	s10 =	simm.s32 $0x1CC00;
	[sflag:s12] =	ssyncset.done $0x0  }
0x68: {  	s15 =	simm.s32 $0x17B80;
	s20 =	simm.s32 $0x1CD80;
	[sflag:s12] =	ssyncadd.s32 $0xFFFFFFD8  }
0x69: {  	[spmem:s3] =	stream.indirect.scatter.add.f32 [tilespmem:s18], [sflag:$0xF], $0x80, s13, s17, $0xb8;
	[tilespmem:$0x1CE00] =	vst v63  }
0x6a: {  	s21 =	simm.s32 $0x1CC80;
	s22 =	simm.s32 $0x18F80;
	s13 =	rddreg [dreg:$0xe]  }
.LBB2_8:
0x6b: {  	s6 =	simm.s32 $0xB  }
0x6c: {  	_ =	swait.ge [sflag:s6], $0x1400  }
0x6d: {  	[sflag:s6] =	ssyncset.done $0x0  }
0x6e: {  	s8 =	simm.s32 $0xC;
	[sflag:s6] =	ssyncadd.s32 $0xFFFFEC00  }
0x6f: {  	_ =	swait.ge [sflag:s8], $0x1400  }
0x70: {  	[sflag:s8] =	ssyncset.done $0x0  }
0x71: {  	s9 =	simm.s32 $0xD;
	[sflag:s8] =	ssyncadd.s32 $0xFFFFEC00  }
0x72: {  	_ =	swait.ge [sflag:s9], $0x1400  }
0x73: {  	[sflag:s9] =	ssyncset.done $0x0  }
0x74: {  	s14 =	simm.s32 $0xE;
	[sflag:s9] =	ssyncadd.s32 $0xFFFFEC00  }
0x75: {  	_ =	swait.ge [sflag:s14], $0x1400  }
0x76: {  	[sflag:s14] =	ssyncset.done $0x0  }
0x77: {  	s7 =	simm.s32 $0xF;
	[sflag:s14] =	ssyncadd.s32 $0xFFFFEC00  }
0x78: {  	_ =	swait.ge [sflag:s7], $0x1400  }
0x79: {  	[sflag:s7] =	ssyncset.done $0x0  }
0x7a: {  	[sflag:s7] =	ssyncadd.s32 $0xFFFFEC00  }
0x7b: {  	[bflag:$0x0] =	sbarrier.arrive $0xFFFF  }
0x7c: {  	s9 =	rddreg [dreg:$0x8]  }
0x7d: {  	s8 =	rddreg [dreg:$0xa]  }
0x7e: {  	s7 =	rddreg [dreg:$0xd]  }
0x7f: {  	[hbm:s8], [sflag:s9] =	dma.local [spmem:s7], $0x2800  }
0x80: {  	s8 =	simm.s32 $0x10  }
0x81: {  	_ =	swait.ge [sflag:s8], $0x2800  }
0x82: {  	s13 =	sadd.s32 $0x1, s13;
	s14 =	rddreg [dreg:$0xb]  }
0x83: {  	p1 =	sne.s32 s13, s14  }
.Ltmp1:
0x84: {  	_ = 	snop;
	(pc) =	sbr.rel @!p1 .LBB2_9-.Ltmp1, $3  }
0x85: {  	_ =	sdelay $0x1  }
0x86: {  	[sflag:s8] =	ssyncset.done $0x0  }
0x87: {  	[sflag:s8] =	ssyncadd.s32 $0xFFFFD800  }
.LBB2_1:
0x88: {  	[dreg:$0xe] =	wrdreg s13  }
0x89: {  	s6 =	rddreg [dreg:$0x7]  }
0x8a: {  	[spmem:s7], [sflag:s9] =	dma.local [hbm:s6], $0x2800  }
0x8b: {  	_ =	swait.ge [sflag:s8], $0x2800  }
0x8c: {  	[sflag:s8] =	ssyncset.done $0x0  }
0x8d: {  	s14 =	rddreg [dreg:$0x9];
	[sflag:s8] =	ssyncadd.s32 $0xFFFFD800  }
0x8e: {  	[tilespmem:s4], [sflag:$0x10] =	stream.linear.gather [hbm4b:s14+s4], $0x2710, $0x38;
	[tilespmem:$0x1CE00] =	vst v63  }
.Ltmp2:
0x8f: {  	_ =	swait.ge [sflag:s8], $0x2710;
	(pc) =	sbr.rel @!p0 .LBB2_2-.Ltmp2, $4  }
0x90: {  	[sflag:s8] =	ssyncset.done $0x0  }
0x91: {  	[sflag:s8] =	ssyncadd.s32 $0xFFFFD8F0  }
0x92: {  	[bflag:$0x0] =	sbarrier.arrive $0xFFFF  }
0x93: {  	p1 =	por $0x1, $0x1  }
0x94: {  	s6 =	simm.s32 @!p1 $0xB  }
0x95: {  	_ =	swait.ge @!p1 [sflag:s6], $0x1400  }
0x96: {  	[sflag:s6] =	ssyncset.done @!p1 $0x0  }
0x97: {  	s14 =	rddreg [dreg:$0xc];
	[sflag:s6] =	ssyncadd.s32 @!p1 $0xFFFFEC00  }
0x98: {  	[tilespmem:s29], [sflag:$0x6] =	stream.linear.gather [hbm4b:s14+s4], $0x28, $0x38;
	[tilespmem:$0x1CE00] =	vst v63  }
0x99: {  	s10 =	simm.s32 $0x0  }
0x9a: {  	[tilespmem:s16], [sflag:$0x1] =	stream.indirect.gather [hbm4b:s5+s17], $0x80, s10, s17, $0xb8;
	[tilespmem:$0x1CE00] =	vst v63  }
0x9b: {  	s7 =	simm.s32 @p1 $0x0;
	s8 =	simm.s32 @p1 $0x1CC00;
	s9 =	simm.s32 @p1 $0x28  }
0x9c: {  	[tilespmem:s8], [sflag:$0x7] =	stream.linear.gather @p1 [hbm4b:s19+s7], $0x28, $0x38;
	[tilespmem:$0x1CE00] =	vst v63  }
0x9d: {  	s6 =	simm.s32 @!p1 $0xC;
	s10 =	simm.s32 @p1 $0x17B80;
	s8 =	simm.s32 @p1 $0x28  }
0x9e: {  	[tilespmem:s10], [sflag:$0x2] =	stream.indirect.gather @p1 [hbm4b:s5+s9], $0x80, s8, s9, $0xb8;
	[tilespmem:$0x1CE00] =	vst v63  }
0x9f: {  	_ =	swait.ge @!p1 [sflag:s6], $0x1400  }
0xa0: {  	s8 =	simm.s32 @!p1 $0x1CC00;
	[sflag:s6] =	ssyncset.done @!p1 $0x0  }
0xa1: {  	s10 =	simm.s32 @!p1 $0x0;
	[sflag:s6] =	ssyncadd.s32 @!p1 $0xFFFFEC00;
	s6 =	sadd.s32 @!p1 $0x5, s14  }
0xa2: {  	[tilespmem:s8], [sflag:$0x7] =	stream.linear.gather @!p1 [hbm4b:s6+s10], $0x28, $0x38;
	[tilespmem:$0x1CE00] =	vst v63  }
0xa3: {  	s13 =	simm.s32 @!p1 $0x17B80;
	s6 =	simm.s32 @!p1 $0x28;
	s8 =	simm.s32 @!p1 $0x28  }
0xa4: {  	[tilespmem:s13], [sflag:$0x2] =	stream.indirect.gather @!p1 [hbm4b:s5+s8], $0x80, s6, s8, $0xb8;
	[tilespmem:$0x1CE00] =	vst v63  }
0xa5: {  	s6 =	simm.s32 @!p1 $0xD  }
0xa6: {  	_ =	swait.ge @!p1 [sflag:s6], $0x1400  }
0xa7: {  	[sflag:s6] =	ssyncset.done @!p1 $0x0  }
0xa8: {  	s13 =	sadd.s32 $0xA, s14;
	[sflag:s6] =	ssyncadd.s32 @!p1 $0xFFFFEC00  }
0xa9: {  	[tilespmem:s21], [sflag:$0x8] =	stream.linear.gather [hbm4b:s13+s4], $0x28, $0x38;
	[tilespmem:$0x1CE00] =	vst v63  }
0xaa: {  	s13 =	simm.s32 $0x50  }
0xab: {  	[tilespmem:s22], [sflag:$0x3] =	stream.indirect.gather [hbm4b:s5+s17], $0x80, s13, s17, $0xb8;
	[tilespmem:$0x1CE00] =	vst v63  }
0xac: {  	s6 =	simm.s32 @p1 $0x1CD00  }
0xad: {  	[tilespmem:s6], [sflag:$0x9] =	stream.linear.gather @p1 [hbm4b:s28+s7], $0x28, $0x38;
	[tilespmem:$0x1CE00] =	vst v63  }
0xae: {  	s6 =	simm.s32 @p1 $0x78;
	s7 =	simm.s32 @p1 $0x1A380  }
0xaf: {  	[tilespmem:s7], [sflag:$0x4] =	stream.indirect.gather @p1 [hbm4b:s5+s9], $0x80, s6, s9, $0xb8;
	[tilespmem:$0x1CE00] =	vst v63  }
0xb0: {  	s6 =	simm.s32 @!p1 $0xE  }
0xb1: {  	_ =	swait.ge @!p1 [sflag:s6], $0x1400  }
0xb2: {  	[sflag:s6] =	ssyncset.done @!p1 $0x0  }
0xb3: {  	s7 =	simm.s32 @!p1 $0x1CD00;
	[sflag:s6] =	ssyncadd.s32 @!p1 $0xFFFFEC00;
	s6 =	sadd.s32 @!p1 $0xF, s14  }
0xb4: {  	[tilespmem:s7], [sflag:$0x9] =	stream.linear.gather @!p1 [hbm4b:s6+s10], $0x28, $0x38;
	[tilespmem:$0x1CE00] =	vst v63  }
0xb5: {  	s6 =	simm.s32 @!p1 $0x78;
	s7 =	simm.s32 @!p1 $0x1A380  }
0xb6: {  	[tilespmem:s7], [sflag:$0x4] =	stream.indirect.gather @!p1 [hbm4b:s5+s8], $0x80, s6, s8, $0xb8;
	[tilespmem:$0x1CE00] =	vst v63  }
0xb7: {  	s6 =	simm.s32 @!p1 $0xF  }
0xb8: {  	_ =	swait.ge @!p1 [sflag:s6], $0x1400  }
0xb9: {  	[sflag:s6] =	ssyncset.done @!p1 $0x0  }
0xba: {  	s10 =	sadd.s32 $0x14, s14;
	[sflag:s6] =	ssyncadd.s32 @!p1 $0xFFFFEC00  }
0xbb: {  	[tilespmem:s20], [sflag:$0xA] =	stream.linear.gather [hbm4b:s10+s4], $0x28, $0x38;
	[tilespmem:$0x1CE00] =	vst v63  }
0xbc: {  	s13 =	simm.s32 $0xA0  }
0xbd: {  	[tilespmem:s18], [sflag:$0x5] =	stream.indirect.gather [hbm4b:s5+s17], $0x80, s13, s17, $0xb8;
	[tilespmem:$0x1CE00] =	vst v63  }
0xbe: {  	_ =	swait.ge [sflag:s23], $0x1400  }
0xbf: {  	[sflag:s23] =	ssyncset.done $0x0  }
0xc0: {  	[sflag:s23] =	ssyncadd.s32 $0xFFFFEC00  }
0xc1: {  	_ =	swait.ge [sflag:s24], $0x28  }
0xc2: {  	[sflag:s24] =	ssyncset.done $0x0  }
0xc3: {  	[sflag:s24] =	ssyncadd.s32 $0xFFFFFFD8  }
0xc4: {  	[spmem:s3] =	stream.indirect.scatter.add.f32 [tilespmem:s16], [sflag:$0xB], $0x80, s29, s17, $0xb8;
	[tilespmem:$0x1CE00] =	vst v63  }
0xc5: {  	_ =	swait.ge [sflag:s25], $0x1400  }
0xc6: {  	[sflag:s25] =	ssyncset.done $0x0  }
0xc7: {  	[sflag:s25] =	ssyncadd.s32 $0xFFFFEC00  }
0xc8: {  	_ =	swait.ge [sflag:s26], $0x28  }
0xc9: {  	[sflag:s26] =	ssyncset.done $0x0  }
0xca: {  	s20 =	simm.s32 $0x1CC00;
	[sflag:s26] =	ssyncadd.s32 $0xFFFFFFD8  }
0xcb: {  	[spmem:s3] =	stream.indirect.scatter.add.f32 [tilespmem:s15], [sflag:$0xC], $0x80, s20, s17, $0xb8;
	[tilespmem:$0x1CE00] =	vst v63  }
0xcc: {  	_ =	swait.ge [sflag:s30], $0x1400  }
0xcd: {  	[sflag:s30] =	ssyncset.done $0x0  }
0xce: {  	[sflag:s30] =	ssyncadd.s32 $0xFFFFEC00  }
0xcf: {  	_ =	swait.ge [sflag:s31], $0x28  }
0xd0: {  	[sflag:s31] =	ssyncset.done $0x0  }
0xd1: {  	[sflag:s31] =	ssyncadd.s32 $0xFFFFFFD8  }
0xd2: {  	[spmem:s3] =	stream.indirect.scatter.add.f32 [tilespmem:s22], [sflag:$0xD], $0x80, s21, s17, $0xb8;
	[tilespmem:$0x1CE00] =	vst v63  }
0xd3: {  	_ =	swait.ge [sflag:s1], $0x1400  }
0xd4: {  	[sflag:s1] =	ssyncset.done $0x0  }
0xd5: {  	[sflag:s1] =	ssyncadd.s32 $0xFFFFEC00  }
0xd6: {  	_ =	swait.ge [sflag:s2], $0x28  }
0xd7: {  	[sflag:s2] =	ssyncset.done $0x0  }
0xd8: {  	s21 =	simm.s32 $0x1CD00;
	s22 =	simm.s32 $0x1A380;
	[sflag:s2] =	ssyncadd.s32 $0xFFFFFFD8  }
0xd9: {  	[spmem:s3] =	stream.indirect.scatter.add.f32 [tilespmem:s22], [sflag:$0xE], $0x80, s21, s17, $0xb8;
	[tilespmem:$0x1CE00] =	vst v63  }
0xda: {  	_ =	swait.ge [sflag:s11], $0x1400  }
0xdb: {  	p2 =	por $0x0, $0x0;
	[sflag:s11] =	ssyncset.done $0x0  }
0xdc: {  	s14 =	sadd.s32 $0x19, s14;
	s4 =	smov.u32 s28;
	[sflag:s11] =	ssyncadd.s32 $0xFFFFEC00  }
0xdd: {  	s13 =	simm.s32 $0x640;
	s15 =	simm.s32 $0x320;
	_ =	swait.ge [sflag:s12], $0x28  }
0xde: {  	s20 =	simm.s32 $0x18F80;
	s22 =	simm.s32 $0x0;
	[sflag:s12] =	ssyncset.done $0x0  }
.LBB2_6:
0xdf: {  	s6 =	simm.s32 @!p2 $0xB;
	[sflag:s12] =	ssyncadd.s32 $0xFFFFFFD8;
	s21 =	simm.s32 $0x1CD80  }
0xe0: {  	[spmem:s3] =	stream.indirect.scatter.add.f32 [tilespmem:s18], [sflag:$0xF], $0x80, s21, s17, $0xb8;
	[tilespmem:$0x1CE00] =	vst v63  }
0xe1: {  	_ =	swait.ge @!p2 [sflag:s6], $0x1400  }
0xe2: {  	[sflag:s6] =	ssyncset.done @!p2 $0x0  }
0xe3: {  	[sflag:s6] =	ssyncadd.s32 @!p2 $0xFFFFEC00  }
0xe4: {  	[tilespmem:s29], [sflag:$0x6] =	stream.linear.gather [hbm4b:s14+s22], $0x28, $0x38;
	[tilespmem:$0x1CE00] =	vst v63  }
0xe5: {  	s7 =	sshra.s32 s15, $0x2;
	s9 =	simm.s32 @p2 $0x0  }
0xe6: {  	[tilespmem:s16], [sflag:$0x1] =	stream.indirect.gather [hbm4b:s5+s17], $0x80, s7, s17, $0xb8;
	[tilespmem:$0x1CE00] =	vst v63  }
0xe7: {  	s10 =	simm.s32 @p2 $0x1CC00;
	s18 =	simm.s32 @p2 $0x28;
	s16 =	sshra.s32 @p2 s15, $0x2  }
0xe8: {  	[tilespmem:s10], [sflag:$0x7] =	stream.linear.gather @p2 [hbm4b:s19+s9], $0x28, $0x38;
	[tilespmem:$0x1CE00] =	vst v63  }
0xe9: {  	s6 =	simm.s32 @!p2 $0xC;
	s10 =	sadd.s32 @p2 $0x28, s16;
	s19 =	simm.s32 @p2 $0x17B80  }
0xea: {  	[tilespmem:s19], [sflag:$0x2] =	stream.indirect.gather @p2 [hbm4b:s5+s18], $0x80, s10, s18, $0xb8;
	[tilespmem:$0x1CE00] =	vst v63  }
0xeb: {  	s28 =	simm.s32 @!p2 $0x0;
	_ =	swait.ge @!p2 [sflag:s6], $0x1400  }
0xec: {  	s29 =	simm.s32 @!p2 $0x17B80;
	s15 =	sshra.s32 @!p2 s15, $0x2;
	[sflag:s6] =	ssyncset.done @!p2 $0x0  }
0xed: {  	s19 =	simm.s32 @!p2 $0x1CC00;
	[sflag:s6] =	ssyncadd.s32 @!p2 $0xFFFFEC00;
	s6 =	sadd.s32 @!p2 $0x5, s14  }
0xee: {  	[tilespmem:s19], [sflag:$0x7] =	stream.linear.gather @!p2 [hbm4b:s6+s28], $0x28, $0x38;
	[tilespmem:$0x1CE00] =	vst v63  }
0xef: {  	s10 =	simm.s32 @!p2 $0xD;
	s6 =	sadd.s32 @!p2 $0x28, s15;
	s19 =	simm.s32 @!p2 $0x28  }
0xf0: {  	[tilespmem:s29], [sflag:$0x2] =	stream.indirect.gather @!p2 [hbm4b:s5+s19], $0x80, s6, s19, $0xb8;
	[tilespmem:$0x1CE00] =	vst v63  }
0xf1: {  	s8 =	smov.u32 s13;
	_ =	swait.ge @!p2 [sflag:s10], $0x1400  }
0xf2: {  	s6 =	sadd.s32 @!p2 $0x78, s15;
	s15 =	smov.u32 s8;
	[sflag:s10] =	ssyncset.done @!p2 $0x0  }
0xf3: {  	s8 =	sadd.s32 $0xA, s14;
	[sflag:s10] =	ssyncadd.s32 @!p2 $0xFFFFEC00;
	s10 =	simm.s32 $0x1CC80  }
0xf4: {  	[tilespmem:s10], [sflag:$0x8] =	stream.linear.gather [hbm4b:s8+s22], $0x28, $0x38;
	[tilespmem:$0x1CE00] =	vst v63  }
0xf5: {  	s8 =	sadd.s32 $0x50, s7  }
0xf6: {  	[tilespmem:s20], [sflag:$0x3] =	stream.indirect.gather [hbm4b:s5+s17], $0x80, s8, s17, $0xb8;
	[tilespmem:$0x1CE00] =	vst v63  }
0xf7: {  	s8 =	simm.s32 @p2 $0x1CD00  }
0xf8: {  	[tilespmem:s8], [sflag:$0x9] =	stream.linear.gather @p2 [hbm4b:s4+s9], $0x28, $0x38;
	[tilespmem:$0x1CE00] =	vst v63  }
0xf9: {  	s16 =	sadd.s32 @p2 $0x78, s16;
	s8 =	simm.s32 @p2 $0x1A380;
	s9 =	simm.s32 @!p2 $0xE  }
0xfa: {  	[tilespmem:s8], [sflag:$0x4] =	stream.indirect.gather @p2 [hbm4b:s5+s18], $0x80, s16, s18, $0xb8;
	[tilespmem:$0x1CE00] =	vst v63  }
0xfb: {  	_ =	swait.ge @!p2 [sflag:s9], $0x1400  }
0xfc: {  	[sflag:s9] =	ssyncset.done @!p2 $0x0  }
0xfd: {  	s8 =	sadd.s32 @!p2 $0xF, s14;
	[sflag:s9] =	ssyncadd.s32 @!p2 $0xFFFFEC00;
	s9 =	simm.s32 @!p2 $0x1CD00  }
0xfe: {  	[tilespmem:s9], [sflag:$0x9] =	stream.linear.gather @!p2 [hbm4b:s8+s28], $0x28, $0x38;
	[tilespmem:$0x1CE00] =	vst v63  }
0xff: {  	s8 =	simm.s32 @!p2 $0x1A380;
	s9 =	simm.s32 @!p2 $0xF  }
0x100: {  	[tilespmem:s8], [sflag:$0x4] =	stream.indirect.gather @!p2 [hbm4b:s5+s19], $0x80, s6, s19, $0xb8;
	[tilespmem:$0x1CE00] =	vst v63  }
0x101: {  	s19 =	rddreg [dreg:$0x6];
	_ =	swait.ge @!p2 [sflag:s9], $0x1400  }
0x102: {  	[sflag:s9] =	ssyncset.done @!p2 $0x0  }
0x103: {  	s28 =	sadd.s32 $0x14, s14;
	[sflag:s9] =	ssyncadd.s32 @!p2 $0xFFFFEC00  }
0x104: {  	[tilespmem:s21], [sflag:$0xA] =	stream.linear.gather [hbm4b:s28+s22], $0x28, $0x38;
	[tilespmem:$0x1CE00] =	vst v63  }
0x105: {  	s7 =	sadd.s32 $0xA0, s7;
	s18 =	simm.s32 $0x1B780  }
0x106: {  	[tilespmem:s18], [sflag:$0x5] =	stream.indirect.gather [hbm4b:s5+s17], $0x80, s7, s17, $0xb8;
	[tilespmem:$0x1CE00] =	vst v63  }
0x107: {  	_ =	swait.ge [sflag:s23], $0x1400  }
0x108: {  	[sflag:s23] =	ssyncset.done $0x0  }
0x109: {  	[sflag:s23] =	ssyncadd.s32 $0xFFFFEC00  }
0x10a: {  	_ =	swait.ge [sflag:s24], $0x28  }
0x10b: {  	[sflag:s24] =	ssyncset.done $0x0  }
0x10c: {  	s29 =	simm.s32 $0x1CB80;
	s16 =	simm.s32 $0x16780;
	[sflag:s24] =	ssyncadd.s32 $0xFFFFFFD8  }
0x10d: {  	[spmem:s3] =	stream.indirect.scatter.add.f32 [tilespmem:s16], [sflag:$0xB], $0x80, s29, s17, $0xb8;
	[tilespmem:$0x1CE00] =	vst v63  }
0x10e: {  	_ =	swait.ge [sflag:s25], $0x1400  }
0x10f: {  	[sflag:s25] =	ssyncset.done $0x0  }
0x110: {  	[sflag:s25] =	ssyncadd.s32 $0xFFFFEC00  }
0x111: {  	_ =	swait.ge [sflag:s26], $0x28  }
0x112: {  	[sflag:s26] =	ssyncset.done $0x0  }
0x113: {  	s8 =	simm.s32 $0x1CC00;
	s9 =	simm.s32 $0x17B80;
	[sflag:s26] =	ssyncadd.s32 $0xFFFFFFD8  }
0x114: {  	[spmem:s3] =	stream.indirect.scatter.add.f32 [tilespmem:s9], [sflag:$0xC], $0x80, s8, s17, $0xb8;
	[tilespmem:$0x1CE00] =	vst v63  }
0x115: {  	_ =	swait.ge [sflag:s30], $0x1400  }
0x116: {  	[sflag:s30] =	ssyncset.done $0x0  }
0x117: {  	[sflag:s30] =	ssyncadd.s32 $0xFFFFEC00  }
0x118: {  	_ =	swait.ge [sflag:s31], $0x28  }
0x119: {  	[sflag:s31] =	ssyncset.done $0x0  }
0x11a: {  	[sflag:s31] =	ssyncadd.s32 $0xFFFFFFD8  }
0x11b: {  	[spmem:s3] =	stream.indirect.scatter.add.f32 [tilespmem:s20], [sflag:$0xD], $0x80, s10, s17, $0xb8;
	[tilespmem:$0x1CE00] =	vst v63  }
0x11c: {  	_ =	swait.ge [sflag:s1], $0x1400  }
0x11d: {  	[sflag:s1] =	ssyncset.done $0x0  }
0x11e: {  	[sflag:s1] =	ssyncadd.s32 $0xFFFFEC00  }
0x11f: {  	s13 =	sadd.s32 $0x320, s13;
	_ =	swait.ge [sflag:s2], $0x28  }
0x120: {  	p1 =	sne.s32 s13, $0x9C40;
	[sflag:s2] =	ssyncset.done $0x0  }
0x121: {  	s21 =	simm.s32 $0x1CD00;
	s28 =	simm.s32 $0x1A380;
	[sflag:s2] =	ssyncadd.s32 $0xFFFFFFD8  }
0x122: {  	[spmem:s3] =	stream.indirect.scatter.add.f32 [tilespmem:s28], [sflag:$0xE], $0x80, s21, s17, $0xb8;
	[tilespmem:$0x1CE00] =	vst v63  }
.Ltmp3:
0x123: {  	_ =	swait.ge [sflag:s11], $0x1400;
	(pc) =	sbr.rel @p1 .LBB2_6-.Ltmp3, $4  }
0x124: {  	[sflag:s11] =	ssyncset.done $0x0  }
0x125: {  	[sflag:s11] =	ssyncadd.s32 $0xFFFFEC00  }
0x126: {  	_ =	swait.ge [sflag:s12], $0x28  }
0x127: {  	s14 =	sadd.s32 $0x19, s14;
	p2 =	seq.s32 s15, $0x0;
	[sflag:s12] =	ssyncset.done $0x0  }
.Ltmp4:
0x128: {  	_ = 	snop;
	(pc) =	sbr.rel .LBB2_7-.Ltmp4, $1  }
0x129: {  	_ =	sdelay $0x3  }
.LBB2_2:
0x12a: {  	s7 =	simm.s32 @!p1 $0xB  }
0x12b: {  	_ =	swait.ge @!p1 [sflag:s7], $0x1400  }
0x12c: {  	[sflag:s7] =	ssyncset.done @!p1 $0x0  }
0x12d: {  	s6 =	rddreg [dreg:$0xc];
	[sflag:s7] =	ssyncadd.s32 @!p1 $0xFFFFEC00  }
0x12e: {  	[tilespmem:s29], [sflag:$0x6] =	stream.linear.gather [hbm4b:s6+s4], $0x28, $0x38;
	[tilespmem:$0x1CE00] =	vst v63  }
0x12f: {  	s14 =	simm.s32 $0x0  }
0x130: {  	[tilespmem:s16], [sflag:$0x1] =	stream.indirect.gather [hbm4b:s0+s17], $0x80, s14, s17, $0xb8;
	[tilespmem:$0x1CE00] =	vst v63  }
0x131: {  	s9 =	simm.s32 @p1 $0x0;
	s8 =	simm.s32 @p1 $0x28;
	s14 =	simm.s32 @p1 $0x1CC00  }
0x132: {  	[tilespmem:s14], [sflag:$0x7] =	stream.linear.gather @p1 [hbm4b:s19+s9], $0x28, $0x38;
	[tilespmem:$0x1CE00] =	vst v63  }
0x133: {  	s13 =	simm.s32 @p1 $0x17B80;
	s7 =	simm.s32 @!p1 $0xC;
	s14 =	simm.s32 @p1 $0x28  }
0x134: {  	[tilespmem:s13], [sflag:$0x2] =	stream.indirect.gather @p1 [hbm4b:s0+s8], $0x80, s14, s8, $0xb8;
	[tilespmem:$0x1CE00] =	vst v63  }
0x135: {  	_ =	swait.ge @!p1 [sflag:s7], $0x1400  }
0x136: {  	s13 =	simm.s32 @!p1 $0x1CC00;
	[sflag:s7] =	ssyncset.done @!p1 $0x0  }
0x137: {  	s14 =	simm.s32 @!p1 $0x0;
	[sflag:s7] =	ssyncadd.s32 @!p1 $0xFFFFEC00;
	s7 =	sadd.s32 @!p1 $0x5, s6  }
0x138: {  	[tilespmem:s13], [sflag:$0x7] =	stream.linear.gather @!p1 [hbm4b:s7+s14], $0x28, $0x38;
	[tilespmem:$0x1CE00] =	vst v63  }
0x139: {  	s15 =	simm.s32 @!p1 $0x17B80;
	s7 =	simm.s32 @!p1 $0x28;
	s13 =	simm.s32 @!p1 $0x28  }
0x13a: {  	[tilespmem:s15], [sflag:$0x2] =	stream.indirect.gather @!p1 [hbm4b:s0+s13], $0x80, s7, s13, $0xb8;
	[tilespmem:$0x1CE00] =	vst v63  }
0x13b: {  	s7 =	simm.s32 @!p1 $0xD  }
0x13c: {  	_ =	swait.ge @!p1 [sflag:s7], $0x1400  }
0x13d: {  	[sflag:s7] =	ssyncset.done @!p1 $0x0  }
0x13e: {  	s15 =	sadd.s32 $0xA, s6;
	[sflag:s7] =	ssyncadd.s32 @!p1 $0xFFFFEC00  }
0x13f: {  	[tilespmem:s21], [sflag:$0x8] =	stream.linear.gather [hbm4b:s15+s4], $0x28, $0x38;
	[tilespmem:$0x1CE00] =	vst v63  }
0x140: {  	s15 =	simm.s32 $0x50  }
0x141: {  	[tilespmem:s22], [sflag:$0x3] =	stream.indirect.gather [hbm4b:s0+s17], $0x80, s15, s17, $0xb8;
	[tilespmem:$0x1CE00] =	vst v63  }
0x142: {  	s7 =	simm.s32 @p1 $0x1CD00  }
0x143: {  	[tilespmem:s7], [sflag:$0x9] =	stream.linear.gather @p1 [hbm4b:s28+s9], $0x28, $0x38;
	[tilespmem:$0x1CE00] =	vst v63  }
0x144: {  	s8 =	simm.s32 @p1 $0x28;
	s15 =	simm.s32 @p1 $0x1A380;
	s7 =	simm.s32 @p1 $0x78  }
0x145: {  	[tilespmem:s15], [sflag:$0x4] =	stream.indirect.gather @p1 [hbm4b:s0+s8], $0x80, s7, s8, $0xb8;
	[tilespmem:$0x1CE00] =	vst v63  }
0x146: {  	s7 =	simm.s32 @!p1 $0xE  }
0x147: {  	_ =	swait.ge @!p1 [sflag:s7], $0x1400  }
0x148: {  	[sflag:s7] =	ssyncset.done @!p1 $0x0  }
0x149: {  	s15 =	simm.s32 @!p1 $0x1CD00;
	[sflag:s7] =	ssyncadd.s32 @!p1 $0xFFFFEC00;
	s7 =	sadd.s32 @!p1 $0xF, s6  }
0x14a: {  	[tilespmem:s15], [sflag:$0x9] =	stream.linear.gather @!p1 [hbm4b:s7+s14], $0x28, $0x38;
	[tilespmem:$0x1CE00] =	vst v63  }
0x14b: {  	s7 =	simm.s32 @!p1 $0x78;
	s14 =	simm.s32 @!p1 $0x1A380  }
0x14c: {  	[tilespmem:s14], [sflag:$0x4] =	stream.indirect.gather @!p1 [hbm4b:s0+s13], $0x80, s7, s13, $0xb8;
	[tilespmem:$0x1CE00] =	vst v63  }
0x14d: {  	s7 =	simm.s32 @!p1 $0xF  }
0x14e: {  	_ =	swait.ge @!p1 [sflag:s7], $0x1400  }
0x14f: {  	[sflag:s7] =	ssyncset.done @!p1 $0x0  }
0x150: {  	s9 =	sadd.s32 $0x14, s6;
	[sflag:s7] =	ssyncadd.s32 @!p1 $0xFFFFEC00  }
0x151: {  	[tilespmem:s20], [sflag:$0xA] =	stream.linear.gather [hbm4b:s9+s4], $0x28, $0x38;
	[tilespmem:$0x1CE00] =	vst v63  }
0x152: {  	s13 =	simm.s32 $0xA0  }
0x153: {  	[tilespmem:s18], [sflag:$0x5] =	stream.indirect.gather [hbm4b:s0+s17], $0x80, s13, s17, $0xb8;
	[tilespmem:$0x1CE00] =	vst v63  }
0x154: {  	_ =	swait.ge [sflag:s23], $0x1400  }
0x155: {  	[sflag:s23] =	ssyncset.done $0x0  }
0x156: {  	[sflag:s23] =	ssyncadd.s32 $0xFFFFEC00  }
0x157: {  	_ =	swait.ge [sflag:s24], $0x28  }
0x158: {  	[sflag:s24] =	ssyncset.done $0x0  }
0x159: {  	[sflag:s24] =	ssyncadd.s32 $0xFFFFFFD8  }
0x15a: {  	[spmem:s3] =	stream.indirect.scatter.add.f32 [tilespmem:s16], [sflag:$0xB], $0x80, s29, s17, $0xb8;
	[tilespmem:$0x1CE00] =	vst v63  }
0x15b: {  	_ =	swait.ge [sflag:s25], $0x1400  }
0x15c: {  	[sflag:s25] =	ssyncset.done $0x0  }
0x15d: {  	[sflag:s25] =	ssyncadd.s32 $0xFFFFEC00  }
0x15e: {  	_ =	swait.ge [sflag:s26], $0x28  }
0x15f: {  	[sflag:s26] =	ssyncset.done $0x0  }
0x160: {  	s14 =	simm.s32 $0x17B80;
	[sflag:s26] =	ssyncadd.s32 $0xFFFFFFD8  }
0x161: {  	[spmem:s3] =	stream.indirect.scatter.add.f32 [tilespmem:s14], [sflag:$0xC], $0x80, s10, s17, $0xb8;
	[tilespmem:$0x1CE00] =	vst v63  }
0x162: {  	_ =	swait.ge [sflag:s30], $0x1400  }
0x163: {  	[sflag:s30] =	ssyncset.done $0x0  }
0x164: {  	[sflag:s30] =	ssyncadd.s32 $0xFFFFEC00  }
0x165: {  	_ =	swait.ge [sflag:s31], $0x28  }
0x166: {  	[sflag:s31] =	ssyncset.done $0x0  }
0x167: {  	[sflag:s31] =	ssyncadd.s32 $0xFFFFFFD8  }
0x168: {  	[spmem:s3] =	stream.indirect.scatter.add.f32 [tilespmem:s22], [sflag:$0xD], $0x80, s21, s17, $0xb8;
	[tilespmem:$0x1CE00] =	vst v63  }
0x169: {  	_ =	swait.ge [sflag:s1], $0x1400  }
0x16a: {  	[sflag:s1] =	ssyncset.done $0x0  }
0x16b: {  	[sflag:s1] =	ssyncadd.s32 $0xFFFFEC00  }
0x16c: {  	_ =	swait.ge [sflag:s2], $0x28  }
0x16d: {  	[sflag:s2] =	ssyncset.done $0x0  }
0x16e: {  	s15 =	simm.s32 $0x1CD00;
	s21 =	simm.s32 $0x1A380;
	[sflag:s2] =	ssyncadd.s32 $0xFFFFFFD8  }
0x16f: {  	[spmem:s3] =	stream.indirect.scatter.add.f32 [tilespmem:s21], [sflag:$0xE], $0x80, s15, s17, $0xb8;
	[tilespmem:$0x1CE00] =	vst v63  }
0x170: {  	_ =	swait.ge [sflag:s11], $0x1400  }
0x171: {  	[sflag:s11] =	ssyncset.done $0x0  }
0x172: {  	[sflag:s11] =	ssyncadd.s32 $0xFFFFEC00  }
0x173: {  	p2 =	por $0x0, $0x0;
	s13 =	simm.s32 $0x640;
	_ =	swait.ge [sflag:s12], $0x28  }
0x174: {  	s14 =	sadd.s32 $0x19, s6;
	s15 =	simm.s32 $0x320;
	[sflag:s12] =	ssyncset.done $0x0  }
.LBB2_3:
0x175: {  	s7 =	simm.s32 @!p2 $0xB;
	[sflag:s12] =	ssyncadd.s32 $0xFFFFFFD8  }
0x176: {  	[spmem:s3] =	stream.indirect.scatter.add.f32 [tilespmem:s18], [sflag:$0xF], $0x80, s20, s17, $0xb8;
	[tilespmem:$0x1CE00] =	vst v63  }
0x177: {  	_ =	swait.ge @!p2 [sflag:s7], $0x1400  }
0x178: {  	[sflag:s7] =	ssyncset.done @!p2 $0x0  }
0x179: {  	[sflag:s7] =	ssyncadd.s32 @!p2 $0xFFFFEC00  }
0x17a: {  	[tilespmem:s29], [sflag:$0x6] =	stream.linear.gather [hbm4b:s14+s4], $0x28, $0x38;
	[tilespmem:$0x1CE00] =	vst v63  }
0x17b: {  	s21 =	smov.u32 s28;
	s6 =	simm.s32 @p2 $0x0;
	s7 =	sshra.s32 s15, $0x2  }
0x17c: {  	[tilespmem:s16], [sflag:$0x1] =	stream.indirect.gather [hbm4b:s0+s17], $0x80, s7, s17, $0xb8;
	[tilespmem:$0x1CE00] =	vst v63  }
0x17d: {  	s8 =	simm.s32 @p2 $0x1CC00;
	s9 =	sshra.s32 @p2 s15, $0x2;
	s10 =	simm.s32 @p2 $0x28  }
0x17e: {  	[tilespmem:s8], [sflag:$0x7] =	stream.linear.gather @p2 [hbm4b:s19+s6], $0x28, $0x38;
	[tilespmem:$0x1CE00] =	vst v63  }
0x17f: {  	s29 =	simm.s32 @!p2 $0xC;
	s16 =	simm.s32 @p2 $0x17B80;
	s8 =	sadd.s32 @p2 $0x28, s9  }
0x180: {  	[tilespmem:s16], [sflag:$0x2] =	stream.indirect.gather @p2 [hbm4b:s0+s10], $0x80, s8, s10, $0xb8;
	[tilespmem:$0x1CE00] =	vst v63  }
0x181: {  	s28 =	smov.u32 s13;
	s18 =	simm.s32 @!p2 $0x0;
	_ =	swait.ge @!p2 [sflag:s29], $0x1400  }
0x182: {  	s15 =	sshra.s32 @!p2 s15, $0x2;
	s19 =	simm.s32 @!p2 $0x17B80;
	[sflag:s29] =	ssyncset.done @!p2 $0x0  }
0x183: {  	s16 =	simm.s32 @!p2 $0x1CC00;
	[sflag:s29] =	ssyncadd.s32 @!p2 $0xFFFFEC00;
	s29 =	sadd.s32 @!p2 $0x5, s14  }
0x184: {  	[tilespmem:s16], [sflag:$0x7] =	stream.linear.gather @!p2 [hbm4b:s29+s18], $0x28, $0x38;
	[tilespmem:$0x1CE00] =	vst v63  }
0x185: {  	s8 =	simm.s32 @!p2 $0xD;
	s16 =	sadd.s32 @!p2 $0x28, s15;
	s29 =	simm.s32 @!p2 $0x28  }
0x186: {  	[tilespmem:s19], [sflag:$0x2] =	stream.indirect.gather @!p2 [hbm4b:s0+s29], $0x80, s16, s29, $0xb8;
	[tilespmem:$0x1CE00] =	vst v63  }
0x187: {  	s19 =	rddreg [dreg:$0x6];
	s16 =	sadd.s32 @!p2 $0x78, s15;
	_ =	swait.ge @!p2 [sflag:s8], $0x1400  }
0x188: {  	s15 =	smov.u32 s28;
	s28 =	smov.u32 s21;
	[sflag:s8] =	ssyncset.done @!p2 $0x0  }
0x189: {  	s21 =	simm.s32 $0x1CC80;
	[sflag:s8] =	ssyncadd.s32 @!p2 $0xFFFFEC00;
	s8 =	sadd.s32 $0xA, s14  }
0x18a: {  	[tilespmem:s21], [sflag:$0x8] =	stream.linear.gather [hbm4b:s8+s4], $0x28, $0x38;
	[tilespmem:$0x1CE00] =	vst v63  }
0x18b: {  	s8 =	sadd.s32 $0x50, s7  }
0x18c: {  	[tilespmem:s22], [sflag:$0x3] =	stream.indirect.gather [hbm4b:s0+s17], $0x80, s8, s17, $0xb8;
	[tilespmem:$0x1CE00] =	vst v63  }
0x18d: {  	s8 =	simm.s32 @p2 $0x1CD00  }
0x18e: {  	[tilespmem:s8], [sflag:$0x9] =	stream.linear.gather @p2 [hbm4b:s28+s6], $0x28, $0x38;
	[tilespmem:$0x1CE00] =	vst v63  }
0x18f: {  	s9 =	sadd.s32 @p2 $0x78, s9;
	s6 =	simm.s32 @p2 $0x1A380;
	s8 =	simm.s32 @!p2 $0xE  }
0x190: {  	[tilespmem:s6], [sflag:$0x4] =	stream.indirect.gather @p2 [hbm4b:s0+s10], $0x80, s9, s10, $0xb8;
	[tilespmem:$0x1CE00] =	vst v63  }
0x191: {  	_ =	swait.ge @!p2 [sflag:s8], $0x1400  }
0x192: {  	[sflag:s8] =	ssyncset.done @!p2 $0x0  }
0x193: {  	s6 =	sadd.s32 @!p2 $0xF, s14;
	[sflag:s8] =	ssyncadd.s32 @!p2 $0xFFFFEC00;
	s8 =	simm.s32 @!p2 $0x1CD00  }
0x194: {  	[tilespmem:s8], [sflag:$0x9] =	stream.linear.gather @!p2 [hbm4b:s6+s18], $0x28, $0x38;
	[tilespmem:$0x1CE00] =	vst v63  }
0x195: {  	s6 =	simm.s32 @!p2 $0x1A380;
	s8 =	simm.s32 @!p2 $0xF  }
0x196: {  	[tilespmem:s6], [sflag:$0x4] =	stream.indirect.gather @!p2 [hbm4b:s0+s29], $0x80, s16, s29, $0xb8;
	[tilespmem:$0x1CE00] =	vst v63  }
0x197: {  	_ =	swait.ge @!p2 [sflag:s8], $0x1400  }
0x198: {  	[sflag:s8] =	ssyncset.done @!p2 $0x0  }
0x199: {  	s9 =	sadd.s32 $0x14, s14;
	[sflag:s8] =	ssyncadd.s32 @!p2 $0xFFFFEC00  }
0x19a: {  	[tilespmem:s20], [sflag:$0xA] =	stream.linear.gather [hbm4b:s9+s4], $0x28, $0x38;
	[tilespmem:$0x1CE00] =	vst v63  }
0x19b: {  	s10 =	sadd.s32 $0xA0, s7;
	s18 =	simm.s32 $0x1B780  }
0x19c: {  	[tilespmem:s18], [sflag:$0x5] =	stream.indirect.gather [hbm4b:s0+s17], $0x80, s10, s17, $0xb8;
	[tilespmem:$0x1CE00] =	vst v63  }
0x19d: {  	_ =	swait.ge [sflag:s23], $0x1400  }
0x19e: {  	[sflag:s23] =	ssyncset.done $0x0  }
0x19f: {  	[sflag:s23] =	ssyncadd.s32 $0xFFFFEC00  }
0x1a0: {  	_ =	swait.ge [sflag:s24], $0x28  }
0x1a1: {  	[sflag:s24] =	ssyncset.done $0x0  }
0x1a2: {  	s16 =	simm.s32 $0x16780;
	s29 =	simm.s32 $0x1CB80;
	[sflag:s24] =	ssyncadd.s32 $0xFFFFFFD8  }
0x1a3: {  	[spmem:s3] =	stream.indirect.scatter.add.f32 [tilespmem:s16], [sflag:$0xB], $0x80, s29, s17, $0xb8;
	[tilespmem:$0x1CE00] =	vst v63  }
0x1a4: {  	_ =	swait.ge [sflag:s25], $0x1400  }
0x1a5: {  	[sflag:s25] =	ssyncset.done $0x0  }
0x1a6: {  	[sflag:s25] =	ssyncadd.s32 $0xFFFFEC00  }
0x1a7: {  	_ =	swait.ge [sflag:s26], $0x28  }
0x1a8: {  	[sflag:s26] =	ssyncset.done $0x0  }
0x1a9: {  	s7 =	simm.s32 $0x17B80;
	s8 =	simm.s32 $0x1CC00;
	[sflag:s26] =	ssyncadd.s32 $0xFFFFFFD8  }
0x1aa: {  	[spmem:s3] =	stream.indirect.scatter.add.f32 [tilespmem:s7], [sflag:$0xC], $0x80, s8, s17, $0xb8;
	[tilespmem:$0x1CE00] =	vst v63  }
0x1ab: {  	_ =	swait.ge [sflag:s30], $0x1400  }
0x1ac: {  	[sflag:s30] =	ssyncset.done $0x0  }
0x1ad: {  	[sflag:s30] =	ssyncadd.s32 $0xFFFFEC00  }
0x1ae: {  	_ =	swait.ge [sflag:s31], $0x28  }
0x1af: {  	[sflag:s31] =	ssyncset.done $0x0  }
0x1b0: {  	[sflag:s31] =	ssyncadd.s32 $0xFFFFFFD8  }
0x1b1: {  	[spmem:s3] =	stream.indirect.scatter.add.f32 [tilespmem:s22], [sflag:$0xD], $0x80, s21, s17, $0xb8;
	[tilespmem:$0x1CE00] =	vst v63  }
0x1b2: {  	_ =	swait.ge [sflag:s1], $0x1400  }
0x1b3: {  	[sflag:s1] =	ssyncset.done $0x0  }
0x1b4: {  	[sflag:s1] =	ssyncadd.s32 $0xFFFFEC00  }
0x1b5: {  	s13 =	sadd.s32 $0x320, s13;
	_ =	swait.ge [sflag:s2], $0x28  }
0x1b6: {  	p1 =	seq.s32 s13, $0x9C40;
	[sflag:s2] =	ssyncset.done $0x0  }
0x1b7: {  	s9 =	simm.s32 $0x1CD00;
	s10 =	simm.s32 $0x1A380;
	[sflag:s2] =	ssyncadd.s32 $0xFFFFFFD8  }
0x1b8: {  	[spmem:s3] =	stream.indirect.scatter.add.f32 [tilespmem:s10], [sflag:$0xE], $0x80, s9, s17, $0xb8;
	[tilespmem:$0x1CE00] =	vst v63  }
.Ltmp5:
0x1b9: {  	_ =	swait.ge [sflag:s11], $0x1400;
	(pc) =	sbr.rel @!p1 .LBB2_3-.Ltmp5, $4  }
0x1ba: {  	[sflag:s11] =	ssyncset.done $0x0  }
0x1bb: {  	[sflag:s11] =	ssyncadd.s32 $0xFFFFEC00  }
0x1bc: {  	_ =	swait.ge [sflag:s12], $0x28  }
0x1bd: {  	s14 =	sadd.s32 $0x19, s14;
	p2 =	seq.s32 s15, $0x0;
	[sflag:s12] =	ssyncset.done $0x0  }
0x1be: {  	s6 =	simm.s32 @!p2 $0xB;
	[sflag:s12] =	ssyncadd.s32 $0xFFFFFFD8  }
0x1bf: {  	[spmem:s3] =	stream.indirect.scatter.add.f32 [tilespmem:s18], [sflag:$0xF], $0x80, s20, s17, $0xb8;
	[tilespmem:$0x1CE00] =	vst v63  }
0x1c0: {  	_ =	swait.ge @!p2 [sflag:s6], $0x1400  }
0x1c1: {  	[sflag:s6] =	ssyncset.done @!p2 $0x0  }
0x1c2: {  	[sflag:s6] =	ssyncadd.s32 @!p2 $0xFFFFEC00  }
0x1c3: {  	[tilespmem:s29], [sflag:$0x6] =	stream.linear.gather [hbm4b:s14+s4], $0x28, $0x38;
	[tilespmem:$0x1CE00] =	vst v63  }
0x1c4: {  	s7 =	simm.s32 @!p2 $0xC;
	s6 =	sshra.s32 s15, $0x2  }
0x1c5: {  	[tilespmem:s16], [sflag:$0x1] =	stream.indirect.gather [hbm4b:s0+s17], $0x80, s6, s17, $0xb8;
	[tilespmem:$0x1CE00] =	vst v63  }
0x1c6: {  	s8 =	simm.s32 @p2 $0x0;
	s9 =	simm.s32 @p2 $0x1CC00;
	s10 =	sshra.s32 @p2 s15, $0x2  }
0x1c7: {  	[tilespmem:s9], [sflag:$0x7] =	stream.linear.gather @p2 [hbm4b:s19+s8], $0x28, $0x38;
	[tilespmem:$0x1CE00] =	vst v63  }
0x1c8: {  	s13 =	simm.s32 @p2 $0x28;
	s16 =	simm.s32 @p2 $0x17B80;
	s9 =	sadd.s32 @p2 $0x28, s10  }
0x1c9: {  	[tilespmem:s16], [sflag:$0x2] =	stream.indirect.gather @p2 [hbm4b:s0+s13], $0x80, s9, s13, $0xb8;
	[tilespmem:$0x1CE00] =	vst v63  }
0x1ca: {  	_ =	swait.ge @!p2 [sflag:s7], $0x1400  }
0x1cb: {  	s15 =	sshra.s32 @!p2 s15, $0x2;
	s9 =	simm.s32 @!p2 $0x1CC00;
	[sflag:s7] =	ssyncset.done @!p2 $0x0  }
0x1cc: {  	s16 =	simm.s32 @!p2 $0x0;
	[sflag:s7] =	ssyncadd.s32 @!p2 $0xFFFFEC00;
	s7 =	sadd.s32 @!p2 $0x5, s14  }
0x1cd: {  	[tilespmem:s9], [sflag:$0x7] =	stream.linear.gather @!p2 [hbm4b:s7+s16], $0x28, $0x38;
	[tilespmem:$0x1CE00] =	vst v63  }
0x1ce: {  	s18 =	simm.s32 @!p2 $0x17B80;
	s7 =	sadd.s32 @!p2 $0x28, s15;
	s9 =	simm.s32 @!p2 $0x28  }
0x1cf: {  	[tilespmem:s18], [sflag:$0x2] =	stream.indirect.gather @!p2 [hbm4b:s0+s9], $0x80, s7, s9, $0xb8;
	[tilespmem:$0x1CE00] =	vst v63  }
0x1d0: {  	s7 =	simm.s32 @!p2 $0xD  }
0x1d1: {  	_ =	swait.ge @!p2 [sflag:s7], $0x1400  }
0x1d2: {  	[sflag:s7] =	ssyncset.done @!p2 $0x0  }
0x1d3: {  	[sflag:s7] =	ssyncadd.s32 @!p2 $0xFFFFEC00;
	s7 =	sadd.s32 $0xA, s14  }
0x1d4: {  	[tilespmem:s21], [sflag:$0x8] =	stream.linear.gather [hbm4b:s7+s4], $0x28, $0x38;
	[tilespmem:$0x1CE00] =	vst v63  }
0x1d5: {  	s7 =	sadd.s32 $0x50, s6  }
0x1d6: {  	[tilespmem:s22], [sflag:$0x3] =	stream.indirect.gather [hbm4b:s0+s17], $0x80, s7, s17, $0xb8;
	[tilespmem:$0x1CE00] =	vst v63  }
0x1d7: {  	s7 =	simm.s32 @p2 $0x1CD00  }
0x1d8: {  	[tilespmem:s7], [sflag:$0x9] =	stream.linear.gather @p2 [hbm4b:s28+s8], $0x28, $0x38;
	[tilespmem:$0x1CE00] =	vst v63  }
0x1d9: {  	s7 =	sadd.s32 @p2 $0x78, s10;
	s8 =	simm.s32 @p2 $0x1A380  }
0x1da: {  	[tilespmem:s8], [sflag:$0x4] =	stream.indirect.gather @p2 [hbm4b:s0+s13], $0x80, s7, s13, $0xb8;
	[tilespmem:$0x1CE00] =	vst v63  }
0x1db: {  	s7 =	simm.s32 @!p2 $0xE  }
0x1dc: {  	_ =	swait.ge @!p2 [sflag:s7], $0x1400  }
0x1dd: {  	[sflag:s7] =	ssyncset.done @!p2 $0x0  }
0x1de: {  	s8 =	simm.s32 @!p2 $0x1CD00;
	[sflag:s7] =	ssyncadd.s32 @!p2 $0xFFFFEC00;
	s7 =	sadd.s32 @!p2 $0xF, s14  }
0x1df: {  	[tilespmem:s8], [sflag:$0x9] =	stream.linear.gather @!p2 [hbm4b:s7+s16], $0x28, $0x38;
	[tilespmem:$0x1CE00] =	vst v63  }
0x1e0: {  	s7 =	sadd.s32 @!p2 $0x78, s15;
	s8 =	simm.s32 @!p2 $0x1A380  }
0x1e1: {  	[tilespmem:s8], [sflag:$0x4] =	stream.indirect.gather @!p2 [hbm4b:s0+s9], $0x80, s7, s9, $0xb8;
	[tilespmem:$0x1CE00] =	vst v63  }
0x1e2: {  	s7 =	simm.s32 @!p2 $0xF  }
0x1e3: {  	_ =	swait.ge @!p2 [sflag:s7], $0x1400  }
0x1e4: {  	[sflag:s7] =	ssyncset.done @!p2 $0x0  }
0x1e5: {  	s9 =	sadd.s32 $0x14, s14;
	[sflag:s7] =	ssyncadd.s32 @!p2 $0xFFFFEC00  }
0x1e6: {  	[tilespmem:s20], [sflag:$0xA] =	stream.linear.gather [hbm4b:s9+s4], $0x28, $0x38;
	[tilespmem:$0x1CE00] =	vst v63  }
0x1e7: {  	s18 =	simm.s32 $0x1B780;
	s6 =	sadd.s32 $0xA0, s6  }
0x1e8: {  	[tilespmem:s18], [sflag:$0x5] =	stream.indirect.gather [hbm4b:s0+s17], $0x80, s6, s17, $0xb8;
	[tilespmem:$0x1CE00] =	vst v63  }
0x1e9: {  	_ =	swait.ge [sflag:s23], $0x1400  }
0x1ea: {  	[sflag:s23] =	ssyncset.done $0x0  }
0x1eb: {  	[sflag:s23] =	ssyncadd.s32 $0xFFFFEC00  }
0x1ec: {  	_ =	swait.ge [sflag:s24], $0x28  }
0x1ed: {  	[sflag:s24] =	ssyncset.done $0x0  }
0x1ee: {  	s16 =	simm.s32 $0x16780;
	[sflag:s24] =	ssyncadd.s32 $0xFFFFFFD8  }
0x1ef: {  	[spmem:s3] =	stream.indirect.scatter.add.f32 [tilespmem:s16], [sflag:$0xB], $0x80, s29, s17, $0xb8;
	[tilespmem:$0x1CE00] =	vst v63  }
0x1f0: {  	_ =	swait.ge [sflag:s25], $0x1400  }
0x1f1: {  	[sflag:s25] =	ssyncset.done $0x0  }
0x1f2: {  	[sflag:s25] =	ssyncadd.s32 $0xFFFFEC00  }
0x1f3: {  	_ =	swait.ge [sflag:s26], $0x28  }
0x1f4: {  	[sflag:s26] =	ssyncset.done $0x0  }
0x1f5: {  	s10 =	simm.s32 $0x17B80;
	s13 =	simm.s32 $0x1CC00;
	[sflag:s26] =	ssyncadd.s32 $0xFFFFFFD8  }
0x1f6: {  	[spmem:s3] =	stream.indirect.scatter.add.f32 [tilespmem:s10], [sflag:$0xC], $0x80, s13, s17, $0xb8;
	[tilespmem:$0x1CE00] =	vst v63  }
0x1f7: {  	_ =	swait.ge [sflag:s30], $0x1400  }
0x1f8: {  	[sflag:s30] =	ssyncset.done $0x0  }
0x1f9: {  	[sflag:s30] =	ssyncadd.s32 $0xFFFFEC00  }
0x1fa: {  	_ =	swait.ge [sflag:s31], $0x28  }
0x1fb: {  	[sflag:s31] =	ssyncset.done $0x0  }
0x1fc: {  	[sflag:s31] =	ssyncadd.s32 $0xFFFFFFD8  }
0x1fd: {  	[spmem:s3] =	stream.indirect.scatter.add.f32 [tilespmem:s22], [sflag:$0xD], $0x80, s21, s17, $0xb8;
	[tilespmem:$0x1CE00] =	vst v63  }
0x1fe: {  	_ =	swait.ge [sflag:s1], $0x1400  }
0x1ff: {  	[sflag:s1] =	ssyncset.done $0x0  }
0x200: {  	[sflag:s1] =	ssyncadd.s32 $0xFFFFEC00  }
0x201: {  	_ =	swait.ge [sflag:s2], $0x28  }
0x202: {  	[sflag:s2] =	ssyncset.done $0x0  }
0x203: {  	s15 =	simm.s32 $0x1A380;
	s14 =	simm.s32 $0x1CD00;
	[sflag:s2] =	ssyncadd.s32 $0xFFFFFFD8  }
0x204: {  	[spmem:s3] =	stream.indirect.scatter.add.f32 [tilespmem:s15], [sflag:$0xE], $0x80, s14, s17, $0xb8;
	[tilespmem:$0x1CE00] =	vst v63  }
0x205: {  	_ =	swait.ge [sflag:s11], $0x1400  }
0x206: {  	[sflag:s11] =	ssyncset.done $0x0  }
.Ltmp6:
0x207: {  	[sflag:s11] =	ssyncadd.s32 $0xFFFFEC00;
	(pc) =	sbr.rel .LBB2_8-.Ltmp6, $4  }
0x208: {  	_ =	swait.ge [sflag:s12], $0x28  }
0x209: {  	s10 =	simm.s32 $0x1CC00;
	[sflag:s12] =	ssyncset.done $0x0  }
0x20a: {  	s15 =	simm.s32 $0x17B80;
	s13 =	rddreg [dreg:$0xe];
	[sflag:s12] =	ssyncadd.s32 $0xFFFFFFD8  }
0x20b: {  	[spmem:s3] =	stream.indirect.scatter.add.f32 [tilespmem:s18], [sflag:$0xF], $0x80, s20, s17, $0xb8;
	[tilespmem:$0x1CE00] =	vst v63  }
.LBB2_9:
0x20c: {  	_ =	sfence.sel $0x180000  }
0x20d: {  	[bflag:$0x0] =	sbarrier.arrive $0xFFFF  }
0x20e: {  	_ =	strace $0x90000047  }
0x20f: {  	s0 =	stileid.u32;
	[bflag:$0x2] =	sbarrier.arrive $0xFFFF  }
0x210: {  	p0 =	sne.s32 s0, $0x0;
	s0 =	rddreg [dreg:$0x5]  }
0x211: {  	s0 =	sadd.s32 @!p0 $0x100000, s0  }
0x212: {  	[sflag:s0] =	ssyncadd.tile.s32 @!p0 $0x1;
	_ =	shalt  }
.Lfunc_end2:
_tile_overlayer_lowered:
.L_overlay_start_2:
0x213: {  	(tag) =	ssettag $0x2  }
0x214: {  	s0 =	rddreg [dreg:$0x0];
	s2 =	stileid.u32  }
0x215: {  	s1 =	rddreg [dreg:$0x1];
	p0 =	sne.s32 s2, $0x0  }
0x216: {  	s3 =	rddreg [dreg:$0x2];
	[bflag:$0x3] =	sbarrier.arrive $0xFFFF;
	s2 =	simm.s32 @!p0 $0x1C10  }
0x217: {  	[timem:s3], [sflag:s2] =	dma.local @!p0 [hbm:s0], s1  }
0x218: {  	s0 =	simm.s32 @!p0 $0x10  }
0x219: {  	_ =	swait.ge @!p0 [sflag:s0], s1  }
0x21a: {  	s1 =	ssub.s32 @!p0 $0x0, s1;
	[sflag:s0] =	ssyncset.done @!p0 $0x0  }
0x21b: {  	[sflag:s0] =	ssyncadd.s32 @!p0 s1  }
0x21c: {  	[bflag:$0x3] =	sbarrier.arrive $0xFFFF  }
0x21d: {  	_ =	shalt  }

</sc_bundles>
